<compile_context>
chip_gen: v7x
topology: tpu7x:2x2x1
jax: 0.10.2.dev20260603
libtpu: 0.0.44.dev20260713+nightly
codegen_flags: <defaults>
</compile_context>

<pallas_src>
import functools

import jax
import jax.numpy as jnp
from jax import lax
from jax.experimental import pallas as pl
from jax.experimental.pallas import tpu as pltpu
from jax.experimental.pallas import tpu_sc as plsc

_LANES = 16
_NB = 3
_LEAD = 2
_GSPLIT = (56, 48, 48, 48)


def _emb_body(maxlen, embed_dim, seq_per_worker,
              x_hbm, tok_hbm, pos_hbm, out_hbm,
              pos_v, idx_v, r0, r1, r2,
              g0, g1, g2, o0, o1, o2, psem):
    rows = (r0, r1, r2)
    gsem = (g0, g1, g2)
    osem = (o0, o1, o2)

    wid = lax.axis_index("s") * 2 + lax.axis_index("c")
    base = wid * seq_per_worker * maxlen

    ppos = pltpu.async_copy(pos_hbm, pos_v, psem)
    pltpu.sync_copy(x_hbm.at[pl.ds(base, seq_per_worker * maxlen)], idx_v)

    def gstart(s, b):
        off = s * maxlen
        sub = 0
        for w in _GSPLIT:
            pltpu.async_copy(tok_hbm.at[idx_v.at[pl.ds(off + sub, w)]],
                             rows[b].at[pl.ds(sub, w)], gsem[b])
            sub += w

    def gwait(b):
        pltpu.make_async_copy(out_hbm.at[pl.ds(0, maxlen)],
                              rows[b], gsem[b]).wait()

    def add_pos(b):
        @plsc.parallel_loop(0, maxlen, 1, unroll=8)
        def row_body(r):
            for j in range(embed_dim // _LANES):
                sl = pl.ds(j * _LANES, _LANES)
                plsc.addupdate(rows[b].at[r, sl], pos_v[r, sl])

    def ostart(s, b):
        off = base + s * maxlen
        pltpu.async_copy(rows[b], out_hbm.at[pl.ds(off, maxlen)], osem[b])

    def owait(b):
        pltpu.make_async_copy(out_hbm.at[pl.ds(0, maxlen)],
                              rows[b], osem[b]).wait()

    for s0 in range(_LEAD):
        gstart(s0, s0)
    ppos.wait()

    n_groups = (seq_per_worker - _LEAD) // _NB

    def group(g, c):
        for j in range(_NB):
            s = g * _NB + j
            b = j
            nxt = (j + _LEAD) % _NB
            gwait(b)
            add_pos(b)
            ostart(s, b)

            @pl.when(s >= 1)
            def _():
                owait(nxt)

            gstart(s + _LEAD, nxt)
        return c

    lax.fori_loop(0, n_groups, group, 0)

    for s in range(seq_per_worker - _LEAD, seq_per_worker):
        b = s % _NB
        gwait(b)
        add_pos(b)
        ostart(s, b)
    for s in range(seq_per_worker - _NB, seq_per_worker):
        owait(s % _NB)


@jax.jit
def kernel(x, token_table, pos_table):
    batch, maxlen = x.shape
    vocab, embed_dim = token_table.shape
    n = batch * maxlen

    info = plsc.get_sparse_core_info()
    nw = info.num_cores * info.num_subcores
    seq_per_worker = batch // nw

    xf = x.reshape(n).astype(jnp.int32)

    mesh = plsc.VectorSubcoreMesh(core_axis_name="c", subcore_axis_name="s")
    run = pl.kernel(
        functools.partial(_emb_body, maxlen, embed_dim, seq_per_worker),
        mesh=mesh,
        out_type=jax.ShapeDtypeStruct((n, embed_dim), jnp.float32),
        scratch_types=(
            [pltpu.VMEM((maxlen, embed_dim), jnp.float32)]
            + [pltpu.VMEM((seq_per_worker * maxlen,), jnp.int32)]
            + [pltpu.VMEM((maxlen, embed_dim), jnp.float32)] * _NB
            + [pltpu.SemaphoreType.DMA] * _NB
            + [pltpu.SemaphoreType.DMA] * _NB
            + [pltpu.SemaphoreType.DMA]
        ),
    )
    out = run(xf, token_table, pos_table)
    return out.reshape(batch, maxlen, embed_dim)

# --- scband reference (transcript-rebuilt; emitter-appended) ---
"""Pipeline reference for scband-token-and-position-embedding-59622736003313 (READ-ONLY COPY).

The authoritative reference and input builder live on the scoring server;
editing this copy changes nothing except your own understanding.
"""

import jax, jax.numpy as jnp
import numpy as np

VOCAB = 100000
MAXLEN = 200
EMBED_DIM = 128
BATCH = 1024


def setup_inputs(seed: int = 0) -> dict:
    key = jax.random.key(seed)
    k1, k2, k3 = jax.random.split(key, 3)
    x = jax.random.randint(k1, (BATCH, MAXLEN), 0, VOCAB, dtype=jnp.int64 if jax.config.jax_enable_x64 else jnp.int32)
    token_table = jax.random.normal(k2, (VOCAB, EMBED_DIM), dtype=jnp.float32) * 0.05
    pos_table = jax.random.normal(k3, (MAXLEN, EMBED_DIM), dtype=jnp.float32) * 0.05
    return {"x": x, "token_table": token_table, "pos_table": pos_table}


def reference(x, token_table, pos_table):
    # positions = range(0, seq_len); pos_emb lookup
    seq_len = x.shape[-1]
    positions = jnp.arange(seq_len)
    pos_embedded = jnp.take(pos_table, positions, axis=0)  # [L, D]
    tok_embedded = jnp.take(token_table, x, axis=0)        # [B, L, D]
    return tok_embedded + pos_embedded[None, :, :]

if __name__ == "__main__":
    import jax
    _d = setup_inputs()
    print(jax.jit(kernel)(*tuple(_d.values())))

</pallas_src>

<mosaic_0001>
#map = affine_map<(d0, d1) -> (0)>
#map1 = affine_map<(d0, d1) -> (0, 0)>
module attributes {stable_mosaic.version = 14 : i64} {
  func.func @_emb_body(%arg0: i32, %arg1: i32, %arg2: memref<204800xi32, #tpu.memory_space<hbm>>, %arg3: memref<100000x128xf32, #tpu.memory_space<hbm>>, %arg4: memref<200x128xf32, #tpu.memory_space<hbm>>, %arg5: memref<204800x128xf32, #tpu.memory_space<hbm>>, %arg6: memref<200x128xf32, #tpu.memory_space<vmem>>, %arg7: memref<6400xi32, #tpu.memory_space<vmem>>, %arg8: memref<200x128xf32, #tpu.memory_space<vmem>>, %arg9: memref<200x128xf32, #tpu.memory_space<vmem>>, %arg10: memref<200x128xf32, #tpu.memory_space<vmem>>, %arg11: memref<!tpu.dma_semaphore, #tpu.memory_space<semaphore_mem>>, %arg12: memref<!tpu.dma_semaphore, #tpu.memory_space<semaphore_mem>>, %arg13: memref<!tpu.dma_semaphore, #tpu.memory_space<semaphore_mem>>, %arg14: memref<!tpu.dma_semaphore, #tpu.memory_space<semaphore_mem>>, %arg15: memref<!tpu.dma_semaphore, #tpu.memory_space<semaphore_mem>>, %arg16: memref<!tpu.dma_semaphore, #tpu.memory_space<semaphore_mem>>, %arg17: memref<!tpu.dma_semaphore, #tpu.memory_space<semaphore_mem>>) attributes {dimension_semantics = [#tpu.dimension_semantics<core_parallel>, #tpu.dimension_semantics<subcore_parallel>], iteration_bounds = array<i64: 2, 16>, scalar_prefetch = 0 : i64, scratch_operands = 12 : i64, tpu.core_type = #tpu.core_type<sc_vector_subcore>, window_params = [{transform_indices = #map}, {transform_indices = #map1}, {transform_indices = #map1}, {transform_indices = #map1}]} {
    %mul3A = arith.constant 2 : i32
    %mul3A_0 = arith.muli %arg1, %mul3A : i32
    %add3A = arith.addi %mul3A_0, %arg0 : i32
    %mul3A_1 = arith.constant 32 : i32
    %mul3A_2 = arith.muli %add3A, %mul3A_1 : i32
    %mul3A_3 = arith.constant 200 : i32
    %mul3A_4 = arith.muli %mul3A_2, %mul3A_3 : i32
    tpu.enqueue_dma source(%arg4 : memref<200x128xf32, #tpu.memory_space<hbm>>) target(%arg6 : memref<200x128xf32, #tpu.memory_space<vmem>>) target_semaphore(%arg17 : memref<!tpu.dma_semaphore, #tpu.memory_space<semaphore_mem>>)
    "tpu.region"() ({
      %run_scoped3A = tpu.sem_alloc : memref<!tpu.dma_semaphore, #tpu.memory_space<semaphore_mem>>
      %dma_start3A_119 = tpu.memref_slice %arg2[%mul3A_4] : memref<204800xi32, #tpu.memory_space<hbm>> -> memref<6400xi32, #tpu.memory_space<hbm>>
      %dma_start3A_120 = tpu.memref_slice %arg2[%mul3A_4] : memref<204800xi32, #tpu.memory_space<hbm>> -> memref<6400xi32, #tpu.memory_space<hbm>>
      tpu.enqueue_dma source(%dma_start3A_120 : memref<6400xi32, #tpu.memory_space<hbm>>) target(%arg7 : memref<6400xi32, #tpu.memory_space<vmem>>) target_semaphore(%run_scoped3A : memref<!tpu.dma_semaphore, #tpu.memory_space<semaphore_mem>>)
      %dma_wait3A_121 = tpu.memref_slice %arg2[%mul3A_4] : memref<204800xi32, #tpu.memory_space<hbm>> -> memref<6400xi32, #tpu.memory_space<hbm>>
      %dma_wait3A_122 = tpu.memref_slice %arg2[%mul3A_4] : memref<204800xi32, #tpu.memory_space<hbm>> -> memref<6400xi32, #tpu.memory_space<hbm>>
      tpu.wait_dma2 semaphore(%run_scoped3A : memref<!tpu.dma_semaphore, #tpu.memory_space<semaphore_mem>>) src(%dma_wait3A_122 : memref<6400xi32, #tpu.memory_space<hbm>>) dst(%arg7 : memref<6400xi32, #tpu.memory_space<vmem>>)
      tpu.yield
    }) : () -> ()
    %dma_start3A = arith.constant 0 : i32
    %dma_start3A_5 = arith.constant 0 : i32
    %dma_start3A_6 = tpu.memref_slice %arg8[%dma_start3A, %dma_start3A_5] : memref<200x128xf32, #tpu.memory_space<vmem>> -> memref<56x128xf32, #tpu.memory_space<vmem>>
    %dma_start3A_7 = arith.constant 0 : i32
    %dma_start3A_8 = tpu.memref_slice %arg7[%dma_start3A_7] : memref<6400xi32, #tpu.memory_space<vmem>> -> memref<56xi32, #tpu.memory_space<vmem>>
    %dma_start3A_9 = arith.constant 0 : i32
    %dma_start3A_10 = arith.constant 0 : i32
    %dma_start3A_11 = tpu.memref_slice %arg3[%dma_start3A_9, %dma_start3A_10] : memref<100000x128xf32, #tpu.memory_space<hbm>> -> memref<100000x128xf32, #tpu.memory_space<hbm>>
    tpu.enqueue_indirect_dma source(%dma_start3A_11 : memref<100000x128xf32, #tpu.memory_space<hbm>>) target(%dma_start3A_6 : memref<56x128xf32, #tpu.memory_space<vmem>>) offsets(%dma_start3A_8 : memref<56xi32, #tpu.memory_space<vmem>>) semaphore(%arg11 : memref<!tpu.dma_semaphore, #tpu.memory_space<semaphore_mem>>)
    %dma_start3A_12 = arith.constant 56 : i32
    %dma_start3A_13 = arith.constant 0 : i32
    %dma_start3A_14 = tpu.memref_slice %arg8[%dma_start3A_12, %dma_start3A_13] : memref<200x128xf32, #tpu.memory_space<vmem>> -> memref<48x128xf32, #tpu.memory_space<vmem>>
    %dma_start3A_15 = arith.constant 56 : i32
    %dma_start3A_16 = tpu.memref_slice %arg7[%dma_start3A_15] : memref<6400xi32, #tpu.memory_space<vmem>> -> memref<48xi32, #tpu.memory_space<vmem>>
    %dma_start3A_17 = arith.constant 0 : i32
    %dma_start3A_18 = arith.constant 0 : i32
    %dma_start3A_19 = tpu.memref_slice %arg3[%dma_start3A_17, %dma_start3A_18] : memref<100000x128xf32, #tpu.memory_space<hbm>> -> memref<100000x128xf32, #tpu.memory_space<hbm>>
    tpu.enqueue_indirect_dma source(%dma_start3A_19 : memref<100000x128xf32, #tpu.memory_space<hbm>>) target(%dma_start3A_14 : memref<48x128xf32, #tpu.memory_space<vmem>>) offsets(%dma_start3A_16 : memref<48xi32, #tpu.memory_space<vmem>>) semaphore(%arg11 : memref<!tpu.dma_semaphore, #tpu.memory_space<semaphore_mem>>)
    %dma_start3A_20 = arith.constant 104 : i32
    %dma_start3A_21 = arith.constant 0 : i32
    %dma_start3A_22 = tpu.memref_slice %arg8[%dma_start3A_20, %dma_start3A_21] : memref<200x128xf32, #tpu.memory_space<vmem>> -> memref<48x128xf32, #tpu.memory_space<vmem>>
    %dma_start3A_23 = arith.constant 104 : i32
    %dma_start3A_24 = tpu.memref_slice %arg7[%dma_start3A_23] : memref<6400xi32, #tpu.memory_space<vmem>> -> memref<48xi32, #tpu.memory_space<vmem>>
    %dma_start3A_25 = arith.constant 0 : i32
    %dma_start3A_26 = arith.constant 0 : i32
    %dma_start3A_27 = tpu.memref_slice %arg3[%dma_start3A_25, %dma_start3A_26] : memref<100000x128xf32, #tpu.memory_space<hbm>> -> memref<100000x128xf32, #tpu.memory_space<hbm>>
    tpu.enqueue_indirect_dma source(%dma_start3A_27 : memref<100000x128xf32, #tpu.memory_space<hbm>>) target(%dma_start3A_22 : memref<48x128xf32, #tpu.memory_space<vmem>>) offsets(%dma_start3A_24 : memref<48xi32, #tpu.memory_space<vmem>>) semaphore(%arg11 : memref<!tpu.dma_semaphore, #tpu.memory_space<semaphore_mem>>)
    %dma_start3A_28 = arith.constant 152 : i32
    %dma_start3A_29 = arith.constant 0 : i32
    %dma_start3A_30 = tpu.memref_slice %arg8[%dma_start3A_28, %dma_start3A_29] : memref<200x128xf32, #tpu.memory_space<vmem>> -> memref<48x128xf32, #tpu.memory_space<vmem>>
    %dma_start3A_31 = arith.constant 152 : i32
    %dma_start3A_32 = tpu.memref_slice %arg7[%dma_start3A_31] : memref<6400xi32, #tpu.memory_space<vmem>> -> memref<48xi32, #tpu.memory_space<vmem>>
    %dma_start3A_33 = arith.constant 0 : i32
    %dma_start3A_34 = arith.constant 0 : i32
    %dma_start3A_35 = tpu.memref_slice %arg3[%dma_start3A_33, %dma_start3A_34] : memref<100000x128xf32, #tpu.memory_space<hbm>> -> memref<100000x128xf32, #tpu.memory_space<hbm>>
    tpu.enqueue_indirect_dma source(%dma_start3A_35 : memref<100000x128xf32, #tpu.memory_space<hbm>>) target(%dma_start3A_30 : memref<48x128xf32, #tpu.memory_space<vmem>>) offsets(%dma_start3A_32 : memref<48xi32, #tpu.memory_space<vmem>>) semaphore(%arg11 : memref<!tpu.dma_semaphore, #tpu.memory_space<semaphore_mem>>)
    %dma_start3A_36 = arith.constant 0 : i32
    %dma_start3A_37 = arith.constant 0 : i32
    %dma_start3A_38 = tpu.memref_slice %arg9[%dma_start3A_36, %dma_start3A_37] : memref<200x128xf32, #tpu.memory_space<vmem>> -> memref<56x128xf32, #tpu.memory_space<vmem>>
    %dma_start3A_39 = arith.constant 200 : i32
    %dma_start3A_40 = tpu.memref_slice %arg7[%dma_start3A_39] : memref<6400xi32, #tpu.memory_space<vmem>> -> memref<56xi32, #tpu.memory_space<vmem>>
    %dma_start3A_41 = arith.constant 0 : i32
    %dma_start3A_42 = arith.constant 0 : i32
    %dma_start3A_43 = tpu.memref_slice %arg3[%dma_start3A_41, %dma_start3A_42] : memref<100000x128xf32, #tpu.memory_space<hbm>> -> memref<100000x128xf32, #tpu.memory_space<hbm>>
    tpu.enqueue_indirect_dma source(%dma_start3A_43 : memref<100000x128xf32, #tpu.memory_space<hbm>>) target(%dma_start3A_38 : memref<56x128xf32, #tpu.memory_space<vmem>>) offsets(%dma_start3A_40 : memref<56xi32, #tpu.memory_space<vmem>>) semaphore(%arg12 : memref<!tpu.dma_semaphore, #tpu.memory_space<semaphore_mem>>)
    %dma_start3A_44 = arith.constant 56 : i32
    %dma_start3A_45 = arith.constant 0 : i32
    %dma_start3A_46 = tpu.memref_slice %arg9[%dma_start3A_44, %dma_start3A_45] : memref<200x128xf32, #tpu.memory_space<vmem>> -> memref<48x128xf32, #tpu.memory_space<vmem>>
    %dma_start3A_47 = arith.constant 256 : i32
    %dma_start3A_48 = tpu.memref_slice %arg7[%dma_start3A_47] : memref<6400xi32, #tpu.memory_space<vmem>> -> memref<48xi32, #tpu.memory_space<vmem>>
    %dma_start3A_49 = arith.constant 0 : i32
    %dma_start3A_50 = arith.constant 0 : i32
    %dma_start3A_51 = tpu.memref_slice %arg3[%dma_start3A_49, %dma_start3A_50] : memref<100000x128xf32, #tpu.memory_space<hbm>> -> memref<100000x128xf32, #tpu.memory_space<hbm>>
    tpu.enqueue_indirect_dma source(%dma_start3A_51 : memref<100000x128xf32, #tpu.memory_space<hbm>>) target(%dma_start3A_46 : memref<48x128xf32, #tpu.memory_space<vmem>>) offsets(%dma_start3A_48 : memref<48xi32, #tpu.memory_space<vmem>>) semaphore(%arg12 : memref<!tpu.dma_semaphore, #tpu.memory_space<semaphore_mem>>)
    %dma_start3A_52 = arith.constant 104 : i32
    %dma_start3A_53 = arith.constant 0 : i32
    %dma_start3A_54 = tpu.memref_slice %arg9[%dma_start3A_52, %dma_start3A_53] : memref<200x128xf32, #tpu.memory_space<vmem>> -> memref<48x128xf32, #tpu.memory_space<vmem>>
    %dma_start3A_55 = arith.constant 304 : i32
    %dma_start3A_56 = tpu.memref_slice %arg7[%dma_start3A_55] : memref<6400xi32, #tpu.memory_space<vmem>> -> memref<48xi32, #tpu.memory_space<vmem>>
    %dma_start3A_57 = arith.constant 0 : i32
    %dma_start3A_58 = arith.constant 0 : i32
    %dma_start3A_59 = tpu.memref_slice %arg3[%dma_start3A_57, %dma_start3A_58] : memref<100000x128xf32, #tpu.memory_space<hbm>> -> memref<100000x128xf32, #tpu.memory_space<hbm>>
    tpu.enqueue_indirect_dma source(%dma_start3A_59 : memref<100000x128xf32, #tpu.memory_space<hbm>>) target(%dma_start3A_54 : memref<48x128xf32, #tpu.memory_space<vmem>>) offsets(%dma_start3A_56 : memref<48xi32, #tpu.memory_space<vmem>>) semaphore(%arg12 : memref<!tpu.dma_semaphore, #tpu.memory_space<semaphore_mem>>)
    %dma_start3A_60 = arith.constant 152 : i32
    %dma_start3A_61 = arith.constant 0 : i32
    %dma_start3A_62 = tpu.memref_slice %arg9[%dma_start3A_60, %dma_start3A_61] : memref<200x128xf32, #tpu.memory_space<vmem>> -> memref<48x128xf32, #tpu.memory_space<vmem>>
    %dma_start3A_63 = arith.constant 352 : i32
    %dma_start3A_64 = tpu.memref_slice %arg7[%dma_start3A_63] : memref<6400xi32, #tpu.memory_space<vmem>> -> memref<48xi32, #tpu.memory_space<vmem>>
    %dma_start3A_65 = arith.constant 0 : i32
    %dma_start3A_66 = arith.constant 0 : i32
    %dma_start3A_67 = tpu.memref_slice %arg3[%dma_start3A_65, %dma_start3A_66] : memref<100000x128xf32, #tpu.memory_space<hbm>> -> memref<100000x128xf32, #tpu.memory_space<hbm>>
    tpu.enqueue_indirect_dma source(%dma_start3A_67 : memref<100000x128xf32, #tpu.memory_space<hbm>>) target(%dma_start3A_62 : memref<48x128xf32, #tpu.memory_space<vmem>>) offsets(%dma_start3A_64 : memref<48xi32, #tpu.memory_space<vmem>>) semaphore(%arg12 : memref<!tpu.dma_semaphore, #tpu.memory_space<semaphore_mem>>)
    tpu.wait_dma2 semaphore(%arg17 : memref<!tpu.dma_semaphore, #tpu.memory_space<semaphore_mem>>) src(%arg4 : memref<200x128xf32, #tpu.memory_space<hbm>>) dst(%arg6 : memref<200x128xf32, #tpu.memory_space<vmem>>)
    %scan3A = arith.constant 0 : i32
    %scan3A_68 = arith.constant 0 : i32
    %scan3A_69 = arith.constant 10 : i32
    %scan3A_70 = arith.addi %scan3A_68, %scan3A_69 : i32
    %scan3A_71 = arith.constant 1 : i32
    scf.for %scan3A_119 = %scan3A_68 to %scan3A_70 step %scan3A_71  : i32 {
      %mul3A_120 = arith.constant 3 : i32
      %mul3A_121 = arith.muli %scan3A_119, %mul3A_120 : i32
      %add3A_122 = arith.constant 0 : i32
      %add3A_123 = arith.addi %mul3A_121, %add3A_122 : i32
      %dma_wait3A_124 = arith.constant 0 : i32
      %dma_wait3A_125 = arith.constant 0 : i32
      %dma_wait3A_126 = tpu.memref_slice %arg5[%dma_wait3A_124, %dma_wait3A_125] : memref<204800x128xf32, #tpu.memory_space<hbm>> -> memref<200x128xf32, #tpu.memory_space<hbm>>
      %dma_wait3A_127 = arith.constant 0 : i32
      %dma_wait3A_128 = arith.constant 0 : i32
      %dma_wait3A_129 = tpu.memref_slice %arg5[%dma_wait3A_127, %dma_wait3A_128] : memref<204800x128xf32, #tpu.memory_space<hbm>> -> memref<200x128xf32, #tpu.memory_space<hbm>>
      tpu.wait_dma2 semaphore(%arg11 : memref<!tpu.dma_semaphore, #tpu.memory_space<semaphore_mem>>) src(%dma_wait3A_129 : memref<200x128xf32, #tpu.memory_space<hbm>>) dst(%arg8 : memref<200x128xf32, #tpu.memory_space<vmem>>)
      %parallel_loop3A_130 = arith.constant 0 : i32
      %parallel_loop3A_131 = arith.constant 200 : i32
      %parallel_loop3A_132 = arith.constant 1 : i32
      scf.for %parallel_loop3A_312 = %parallel_loop3A_130 to %parallel_loop3A_131 step %parallel_loop3A_132  : i32 {
        %parallel_loop3A_313 = arith.index_cast %parallel_loop3A_312 : i32 to index
        %parallel_loop3A_314 = arith.constant 0 : index
        %parallel_loop3A_315 = tpu.vector_load %arg6[%parallel_loop3A_313, %parallel_loop3A_314] {strides = array<i32>} : memref<200x128xf32, #tpu.memory_space<vmem>>, vector<1x16xf32>,
        %parallel_loop3A_316 = vector.shape_cast %parallel_loop3A_315 : vector<1x16xf32> to vector<16xf32>
        %parallel_loop3A_317 = arith.index_cast %parallel_loop3A_312 : i32 to index
        %parallel_loop3A_318 = arith.constant 0 : index
        %parallel_loop3A_319 = tpu.vector_load %arg8[%parallel_loop3A_317, %parallel_loop3A_318] {strides = array<i32>} : memref<200x128xf32, #tpu.memory_space<vmem>>, vector<1x16xf32>,
        %parallel_loop3A_320 = vector.shape_cast %parallel_loop3A_319 : vector<1x16xf32> to vector<16xf32>
        %parallel_loop3A_321 = vector.shape_cast %parallel_loop3A_316 : vector<16xf32> to vector<1x16xf32>
        tpu.vector_store %arg8[%parallel_loop3A_317, %parallel_loop3A_318], %parallel_loop3A_321 {add = true, strides = array<i32>} : memref<200x128xf32, #tpu.memory_space<vmem>>, vector<1x16xf32>,
        %parallel_loop3A_322 = arith.index_cast %parallel_loop3A_312 : i32 to index
        %parallel_loop3A_323 = arith.constant 16 : index
        %parallel_loop3A_324 = tpu.vector_load %arg6[%parallel_loop3A_322, %parallel_loop3A_323] {strides = array<i32>} : memref<200x128xf32, #tpu.memory_space<vmem>>, vector<1x16xf32>,
        %parallel_loop3A_325 = vector.shape_cast %parallel_loop3A_324 : vector<1x16xf32> to vector<16xf32>
        %parallel_loop3A_326 = arith.index_cast %parallel_loop3A_312 : i32 to index
        %parallel_loop3A_327 = arith.constant 16 : index
        %parallel_loop3A_328 = tpu.vector_load %arg8[%parallel_loop3A_326, %parallel_loop3A_327] {strides = array<i32>} : memref<200x128xf32, #tpu.memory_space<vmem>>, vector<1x16xf32>,
        %parallel_loop3A_329 = vector.shape_cast %parallel_loop3A_328 : vector<1x16xf32> to vector<16xf32>
        %parallel_loop3A_330 = vector.shape_cast %parallel_loop3A_325 : vector<16xf32> to vector<1x16xf32>
        tpu.vector_store %arg8[%parallel_loop3A_326, %parallel_loop3A_327], %parallel_loop3A_330 {add = true, strides = array<i32>} : memref<200x128xf32, #tpu.memory_space<vmem>>, vector<1x16xf32>,
        %parallel_loop3A_331 = arith.index_cast %parallel_loop3A_312 : i32 to index
        %parallel_loop3A_332 = arith.constant 32 : index
        %parallel_loop3A_333 = tpu.vector_load %arg6[%parallel_loop3A_331, %parallel_loop3A_332] {strides = array<i32>} : memref<200x128xf32, #tpu.memory_space<vmem>>, vector<1x16xf32>,
        %parallel_loop3A_334 = vector.shape_cast %parallel_loop3A_333 : vector<1x16xf32> to vector<16xf32>
        %parallel_loop3A_335 = arith.index_cast %parallel_loop3A_312 : i32 to index
        %parallel_loop3A_336 = arith.constant 32 : index
        %parallel_loop3A_337 = tpu.vector_load %arg8[%parallel_loop3A_335, %parallel_loop3A_336] {strides = array<i32>} : memref<200x128xf32, #tpu.memory_space<vmem>>, vector<1x16xf32>,
        %parallel_loop3A_338 = vector.shape_cast %parallel_loop3A_337 : vector<1x16xf32> to vector<16xf32>
        %parallel_loop3A_339 = vector.shape_cast %parallel_loop3A_334 : vector<16xf32> to vector<1x16xf32>
        tpu.vector_store %arg8[%parallel_loop3A_335, %parallel_loop3A_336], %parallel_loop3A_339 {add = true, strides = array<i32>} : memref<200x128xf32, #tpu.memory_space<vmem>>, vector<1x16xf32>,
        %parallel_loop3A_340 = arith.index_cast %parallel_loop3A_312 : i32 to index
        %parallel_loop3A_341 = arith.constant 48 : index
        %parallel_loop3A_342 = tpu.vector_load %arg6[%parallel_loop3A_340, %parallel_loop3A_341] {strides = array<i32>} : memref<200x128xf32, #tpu.memory_space<vmem>>, vector<1x16xf32>,
        %parallel_loop3A_343 = vector.shape_cast %parallel_loop3A_342 : vector<1x16xf32> to vector<16xf32>
        %parallel_loop3A_344 = arith.index_cast %parallel_loop3A_312 : i32 to index
        %parallel_loop3A_345 = arith.constant 48 : index
        %parallel_loop3A_346 = tpu.vector_load %arg8[%parallel_loop3A_344, %parallel_loop3A_345] {strides = array<i32>} : memref<200x128xf32, #tpu.memory_space<vmem>>, vector<1x16xf32>,
        %parallel_loop3A_347 = vector.shape_cast %parallel_loop3A_346 : vector<1x16xf32> to vector<16xf32>
        %parallel_loop3A_348 = vector.shape_cast %parallel_loop3A_343 : vector<16xf32> to vector<1x16xf32>
        tpu.vector_store %arg8[%parallel_loop3A_344, %parallel_loop3A_345], %parallel_loop3A_348 {add = true, strides = array<i32>} : memref<200x128xf32, #tpu.memory_space<vmem>>, vector<1x16xf32>,
        %parallel_loop3A_349 = arith.index_cast %parallel_loop3A_312 : i32 to index
        %parallel_loop3A_350 = arith.constant 64 : index
        %parallel_loop3A_351 = tpu.vector_load %arg6[%parallel_loop3A_349, %parallel_loop3A_350] {strides = array<i32>} : memref<200x128xf32, #tpu.memory_space<vmem>>, vector<1x16xf32>,
        %parallel_loop3A_352 = vector.shape_cast %parallel_loop3A_351 : vector<1x16xf32> to vector<16xf32>
        %parallel_loop3A_353 = arith.index_cast %parallel_loop3A_312 : i32 to index
        %parallel_loop3A_354 = arith.constant 64 : index
        %parallel_loop3A_355 = tpu.vector_load %arg8[%parallel_loop3A_353, %parallel_loop3A_354] {strides = array<i32>} : memref<200x128xf32, #tpu.memory_space<vmem>>, vector<1x16xf32>,
        %parallel_loop3A_356 = vector.shape_cast %parallel_loop3A_355 : vector<1x16xf32> to vector<16xf32>
        %parallel_loop3A_357 = vector.shape_cast %parallel_loop3A_352 : vector<16xf32> to vector<1x16xf32>
        tpu.vector_store %arg8[%parallel_loop3A_353, %parallel_loop3A_354], %parallel_loop3A_357 {add = true, strides = array<i32>} : memref<200x128xf32, #tpu.memory_space<vmem>>, vector<1x16xf32>,
        %parallel_loop3A_358 = arith.index_cast %parallel_loop3A_312 : i32 to index
        %parallel_loop3A_359 = arith.constant 80 : index
        %parallel_loop3A_360 = tpu.vector_load %arg6[%parallel_loop3A_358, %parallel_loop3A_359] {strides = array<i32>} : memref<200x128xf32, #tpu.memory_space<vmem>>, vector<1x16xf32>,
        %parallel_loop3A_361 = vector.shape_cast %parallel_loop3A_360 : vector<1x16xf32> to vector<16xf32>
        %parallel_loop3A_362 = arith.index_cast %parallel_loop3A_312 : i32 to index
        %parallel_loop3A_363 = arith.constant 80 : index
        %parallel_loop3A_364 = tpu.vector_load %arg8[%parallel_loop3A_362, %parallel_loop3A_363] {strides = array<i32>} : memref<200x128xf32, #tpu.memory_space<vmem>>, vector<1x16xf32>,
        %parallel_loop3A_365 = vector.shape_cast %parallel_loop3A_364 : vector<1x16xf32> to vector<16xf32>
        %parallel_loop3A_366 = vector.shape_cast %parallel_loop3A_361 : vector<16xf32> to vector<1x16xf32>
        tpu.vector_store %arg8[%parallel_loop3A_362, %parallel_loop3A_363], %parallel_loop3A_366 {add = true, strides = array<i32>} : memref<200x128xf32, #tpu.memory_space<vmem>>, vector<1x16xf32>,
        %parallel_loop3A_367 = arith.index_cast %parallel_loop3A_312 : i32 to index
        %parallel_loop3A_368 = arith.constant 96 : index
        %parallel_loop3A_369 = tpu.vector_load %arg6[%parallel_loop3A_367, %parallel_loop3A_368] {strides = array<i32>} : memref<200x128xf32, #tpu.memory_space<vmem>>, vector<1x16xf32>,
        %parallel_loop3A_370 = vector.shape_cast %parallel_loop3A_369 : vector<1x16xf32> to vector<16xf32>
        %parallel_loop3A_371 = arith.index_cast %parallel_loop3A_312 : i32 to index
        %parallel_loop3A_372 = arith.constant 96 : index
        %parallel_loop3A_373 = tpu.vector_load %arg8[%parallel_loop3A_371, %parallel_loop3A_372] {strides = array<i32>} : memref<200x128xf32, #tpu.memory_space<vmem>>, vector<1x16xf32>,
        %parallel_loop3A_374 = vector.shape_cast %parallel_loop3A_373 : vector<1x16xf32> to vector<16xf32>
        %parallel_loop3A_375 = vector.shape_cast %parallel_loop3A_370 : vector<16xf32> to vector<1x16xf32>
        tpu.vector_store %arg8[%parallel_loop3A_371, %parallel_loop3A_372], %parallel_loop3A_375 {add = true, strides = array<i32>} : memref<200x128xf32, #tpu.memory_space<vmem>>, vector<1x16xf32>,
        %parallel_loop3A_376 = arith.index_cast %parallel_loop3A_312 : i32 to index
        %parallel_loop3A_377 = arith.constant 112 : index
        %parallel_loop3A_378 = tpu.vector_load %arg6[%parallel_loop3A_376, %parallel_loop3A_377] {strides = array<i32>} : memref<200x128xf32, #tpu.memory_space<vmem>>, vector<1x16xf32>,
        %parallel_loop3A_379 = vector.shape_cast %parallel_loop3A_378 : vector<1x16xf32> to vector<16xf32>
        %parallel_loop3A_380 = arith.index_cast %parallel_loop3A_312 : i32 to index
        %parallel_loop3A_381 = arith.constant 112 : index
        %parallel_loop3A_382 = tpu.vector_load %arg8[%parallel_loop3A_380, %parallel_loop3A_381] {strides = array<i32>} : memref<200x128xf32, #tpu.memory_space<vmem>>, vector<1x16xf32>,
        %parallel_loop3A_383 = vector.shape_cast %parallel_loop3A_382 : vector<1x16xf32> to vector<16xf32>
        %parallel_loop3A_384 = vector.shape_cast %parallel_loop3A_379 : vector<16xf32> to vector<1x16xf32>
        tpu.vector_store %arg8[%parallel_loop3A_380, %parallel_loop3A_381], %parallel_loop3A_384 {add = true, strides = array<i32>} : memref<200x128xf32, #tpu.memory_space<vmem>>, vector<1x16xf32>,
      } {sc.loop_unroll_factor = 8 : i64, sc.parallel_access}
      %mul3A_133 = arith.constant 200 : i32
      %mul3A_134 = arith.muli %add3A_123, %mul3A_133 : i32
      %add3A_135 = arith.addi %mul3A_4, %mul3A_134 : i32
      %dma_start3A_136 = arith.constant 0 : i32
      %dma_start3A_137 = tpu.memref_slice %arg5[%add3A_135, %dma_start3A_136] : memref<204800x128xf32, #tpu.memory_space<hbm>> -> memref<200x128xf32, #tpu.memory_space<hbm>>
      %dma_start3A_138 = arith.constant 0 : i32
      %dma_start3A_139 = tpu.memref_slice %arg5[%add3A_135, %dma_start3A_138] : memref<204800x128xf32, #tpu.memory_space<hbm>> -> memref<200x128xf32, #tpu.memory_space<hbm>>
      tpu.enqueue_dma source(%arg8 : memref<200x128xf32, #tpu.memory_space<vmem>>) target(%dma_start3A_139 : memref<200x128xf32, #tpu.memory_space<hbm>>) target_semaphore(%arg14 : memref<!tpu.dma_semaphore, #tpu.memory_space<semaphore_mem>>)
      %ge3A = arith.constant 1 : i32
      %ge3A_140 = arith.cmpi sge, %add3A_123, %ge3A : i32
      %convert_element_type3A = arith.extui %ge3A_140 : i1 to i32
      %cond3A = arith.constant 0 : i32
      %cond3A_141 = arith.cmpi ne, %convert_element_type3A, %cond3A : i32
      scf.if %cond3A_141 {
        %dma_wait3A_312 = arith.constant 0 : i32
        %dma_wait3A_313 = arith.constant 0 : i32
        %dma_wait3A_314 = tpu.memref_slice %arg5[%dma_wait3A_312, %dma_wait3A_313] : memref<204800x128xf32, #tpu.memory_space<hbm>> -> memref<200x128xf32, #tpu.memory_space<hbm>>
        %dma_wait3A_315 = arith.constant 0 : i32
        %dma_wait3A_316 = arith.constant 0 : i32
        %dma_wait3A_317 = tpu.memref_slice %arg5[%dma_wait3A_315, %dma_wait3A_316] : memref<204800x128xf32, #tpu.memory_space<hbm>> -> memref<200x128xf32, #tpu.memory_space<hbm>>
        tpu.wait_dma2 semaphore(%arg16 : memref<!tpu.dma_semaphore, #tpu.memory_space<semaphore_mem>>) src(%dma_wait3A_317 : memref<200x128xf32, #tpu.memory_space<hbm>>) dst(%arg10 : memref<200x128xf32, #tpu.memory_space<vmem>>)
      } else {
      }
      %add3A_142 = arith.constant 2 : i32
      %add3A_143 = arith.addi %add3A_123, %add3A_142 : i32
      %mul3A_144 = arith.constant 200 : i32
      %mul3A_145 = arith.muli %add3A_143, %mul3A_144 : i32
      %add3A_146 = arith.constant 0 : i32
      %add3A_147 = arith.addi %mul3A_145, %add3A_146 : i32
      %dma_start3A_148 = arith.constant 0 : i32
      %dma_start3A_149 = arith.constant 0 : i32
      %dma_start3A_150 = tpu.memref_slice %arg10[%dma_start3A_148, %dma_start3A_149] : memref<200x128xf32, #tpu.memory_space<vmem>> -> memref<56x128xf32, #tpu.memory_space<vmem>>
      %dma_start3A_151 = tpu.memref_slice %arg7[%add3A_147] : memref<6400xi32, #tpu.memory_space<vmem>> -> memref<56xi32, #tpu.memory_space<vmem>>
      %dma_start3A_152 = arith.constant 0 : i32
      %dma_start3A_153 = arith.constant 0 : i32
      %dma_start3A_154 = tpu.memref_slice %arg3[%dma_start3A_152, %dma_start3A_153] : memref<100000x128xf32, #tpu.memory_space<hbm>> -> memref<100000x128xf32, #tpu.memory_space<hbm>>
      tpu.enqueue_indirect_dma source(%dma_start3A_154 : memref<100000x128xf32, #tpu.memory_space<hbm>>) target(%dma_start3A_150 : memref<56x128xf32, #tpu.memory_space<vmem>>) offsets(%dma_start3A_151 : memref<56xi32, #tpu.memory_space<vmem>>) semaphore(%arg13 : memref<!tpu.dma_semaphore, #tpu.memory_space<semaphore_mem>>)
      %add3A_155 = arith.constant 56 : i32
      %add3A_156 = arith.addi %mul3A_145, %add3A_155 : i32
      %dma_start3A_157 = arith.constant 56 : i32
      %dma_start3A_158 = arith.constant 0 : i32
      %dma_start3A_159 = tpu.memref_slice %arg10[%dma_start3A_157, %dma_start3A_158] : memref<200x128xf32, #tpu.memory_space<vmem>> -> memref<48x128xf32, #tpu.memory_space<vmem>>
      %dma_start3A_160 = tpu.memref_slice %arg7[%add3A_156] : memref<6400xi32, #tpu.memory_space<vmem>> -> memref<48xi32, #tpu.memory_space<vmem>>
      %dma_start3A_161 = arith.constant 0 : i32
      %dma_start3A_162 = arith.constant 0 : i32
      %dma_start3A_163 = tpu.memref_slice %arg3[%dma_start3A_161, %dma_start3A_162] : memref<100000x128xf32, #tpu.memory_space<hbm>> -> memref<100000x128xf32, #tpu.memory_space<hbm>>
      tpu.enqueue_indirect_dma source(%dma_start3A_163 : memref<100000x128xf32, #tpu.memory_space<hbm>>) target(%dma_start3A_159 : memref<48x128xf32, #tpu.memory_space<vmem>>) offsets(%dma_start3A_160 : memref<48xi32, #tpu.memory_space<vmem>>) semaphore(%arg13 : memref<!tpu.dma_semaphore, #tpu.memory_space<semaphore_mem>>)
      %add3A_164 = arith.constant 104 : i32
      %add3A_165 = arith.addi %mul3A_145, %add3A_164 : i32
      %dma_start3A_166 = arith.constant 104 : i32
      %dma_start3A_167 = arith.constant 0 : i32
      %dma_start3A_168 = tpu.memref_slice %arg10[%dma_start3A_166, %dma_start3A_167] : memref<200x128xf32, #tpu.memory_space<vmem>> -> memref<48x128xf32, #tpu.memory_space<vmem>>
      %dma_start3A_169 = tpu.memref_slice %arg7[%add3A_165] : memref<6400xi32, #tpu.memory_space<vmem>> -> memref<48xi32, #tpu.memory_space<vmem>>
      %dma_start3A_170 = arith.constant 0 : i32
      %dma_start3A_171 = arith.constant 0 : i32
      %dma_start3A_172 = tpu.memref_slice %arg3[%dma_start3A_170, %dma_start3A_171] : memref<100000x128xf32, #tpu.memory_space<hbm>> -> memref<100000x128xf32, #tpu.memory_space<hbm>>
      tpu.enqueue_indirect_dma source(%dma_start3A_172 : memref<100000x128xf32, #tpu.memory_space<hbm>>) target(%dma_start3A_168 : memref<48x128xf32, #tpu.memory_space<vmem>>) offsets(%dma_start3A_169 : memref<48xi32, #tpu.memory_space<vmem>>) semaphore(%arg13 : memref<!tpu.dma_semaphore, #tpu.memory_space<semaphore_mem>>)
      %add3A_173 = arith.constant 152 : i32
      %add3A_174 = arith.addi %mul3A_145, %add3A_173 : i32
      %dma_start3A_175 = arith.constant 152 : i32
      %dma_start3A_176 = arith.constant 0 : i32
      %dma_start3A_177 = tpu.memref_slice %arg10[%dma_start3A_175, %dma_start3A_176] : memref<200x128xf32, #tpu.memory_space<vmem>> -> memref<48x128xf32, #tpu.memory_space<vmem>>
      %dma_start3A_178 = tpu.memref_slice %arg7[%add3A_174] : memref<6400xi32, #tpu.memory_space<vmem>> -> memref<48xi32, #tpu.memory_space<vmem>>
      %dma_start3A_179 = arith.constant 0 : i32
      %dma_start3A_180 = arith.constant 0 : i32
      %dma_start3A_181 = tpu.memref_slice %arg3[%dma_start3A_179, %dma_start3A_180] : memref<100000x128xf32, #tpu.memory_space<hbm>> -> memref<100000x128xf32, #tpu.memory_space<hbm>>
      tpu.enqueue_indirect_dma source(%dma_start3A_181 : memref<100000x128xf32, #tpu.memory_space<hbm>>) target(%dma_start3A_177 : memref<48x128xf32, #tpu.memory_space<vmem>>) offsets(%dma_start3A_178 : memref<48xi32, #tpu.memory_space<vmem>>) semaphore(%arg13 : memref<!tpu.dma_semaphore, #tpu.memory_space<semaphore_mem>>)
      %mul3A_182 = arith.constant 3 : i32
      %mul3A_183 = arith.muli %scan3A_119, %mul3A_182 : i32
      %add3A_184 = arith.constant 1 : i32
      %add3A_185 = arith.addi %mul3A_183, %add3A_184 : i32
      %dma_wait3A_186 = arith.constant 0 : i32
      %dma_wait3A_187 = arith.constant 0 : i32
      %dma_wait3A_188 = tpu.memref_slice %arg5[%dma_wait3A_186, %dma_wait3A_187] : memref<204800x128xf32, #tpu.memory_space<hbm>> -> memref<200x128xf32, #tpu.memory_space<hbm>>
      %dma_wait3A_189 = arith.constant 0 : i32
      %dma_wait3A_190 = arith.constant 0 : i32
      %dma_wait3A_191 = tpu.memref_slice %arg5[%dma_wait3A_189, %dma_wait3A_190] : memref<204800x128xf32, #tpu.memory_space<hbm>> -> memref<200x128xf32, #tpu.memory_space<hbm>>
      tpu.wait_dma2 semaphore(%arg12 : memref<!tpu.dma_semaphore, #tpu.memory_space<semaphore_mem>>) src(%dma_wait3A_191 : memref<200x128xf32, #tpu.memory_space<hbm>>) dst(%arg9 : memref<200x128xf32, #tpu.memory_space<vmem>>)
      %parallel_loop3A_192 = arith.constant 0 : i32
      %parallel_loop3A_193 = arith.constant 200 : i32
      %parallel_loop3A_194 = arith.constant 1 : i32
      scf.for %parallel_loop3A_312 = %parallel_loop3A_192 to %parallel_loop3A_193 step %parallel_loop3A_194  : i32 {
        %parallel_loop3A_313 = arith.index_cast %parallel_loop3A_312 : i32 to index
        %parallel_loop3A_314 = arith.constant 0 : index
        %parallel_loop3A_315 = tpu.vector_load %arg6[%parallel_loop3A_313, %parallel_loop3A_314] {strides = array<i32>} : memref<200x128xf32, #tpu.memory_space<vmem>>, vector<1x16xf32>,
        %parallel_loop3A_316 = vector.shape_cast %parallel_loop3A_315 : vector<1x16xf32> to vector<16xf32>
        %parallel_loop3A_317 = arith.index_cast %parallel_loop3A_312 : i32 to index
        %parallel_loop3A_318 = arith.constant 0 : index
        %parallel_loop3A_319 = tpu.vector_load %arg9[%parallel_loop3A_317, %parallel_loop3A_318] {strides = array<i32>} : memref<200x128xf32, #tpu.memory_space<vmem>>, vector<1x16xf32>,
        %parallel_loop3A_320 = vector.shape_cast %parallel_loop3A_319 : vector<1x16xf32> to vector<16xf32>
        %parallel_loop3A_321 = vector.shape_cast %parallel_loop3A_316 : vector<16xf32> to vector<1x16xf32>
        tpu.vector_store %arg9[%parallel_loop3A_317, %parallel_loop3A_318], %parallel_loop3A_321 {add = true, strides = array<i32>} : memref<200x128xf32, #tpu.memory_space<vmem>>, vector<1x16xf32>,
        %parallel_loop3A_322 = arith.index_cast %parallel_loop3A_312 : i32 to index
        %parallel_loop3A_323 = arith.constant 16 : index
        %parallel_loop3A_324 = tpu.vector_load %arg6[%parallel_loop3A_322, %parallel_loop3A_323] {strides = array<i32>} : memref<200x128xf32, #tpu.memory_space<vmem>>, vector<1x16xf32>,
        %parallel_loop3A_325 = vector.shape_cast %parallel_loop3A_324 : vector<1x16xf32> to vector<16xf32>
        %parallel_loop3A_326 = arith.index_cast %parallel_loop3A_312 : i32 to index
        %parallel_loop3A_327 = arith.constant 16 : index
        %parallel_loop3A_328 = tpu.vector_load %arg9[%parallel_loop3A_326, %parallel_loop3A_327] {strides = array<i32>} : memref<200x128xf32, #tpu.memory_space<vmem>>, vector<1x16xf32>,
        %parallel_loop3A_329 = vector.shape_cast %parallel_loop3A_328 : vector<1x16xf32> to vector<16xf32>
        %parallel_loop3A_330 = vector.shape_cast %parallel_loop3A_325 : vector<16xf32> to vector<1x16xf32>
        tpu.vector_store %arg9[%parallel_loop3A_326, %parallel_loop3A_327], %parallel_loop3A_330 {add = true, strides = array<i32>} : memref<200x128xf32, #tpu.memory_space<vmem>>, vector<1x16xf32>,
        %parallel_loop3A_331 = arith.index_cast %parallel_loop3A_312 : i32 to index
        %parallel_loop3A_332 = arith.constant 32 : index
        %parallel_loop3A_333 = tpu.vector_load %arg6[%parallel_loop3A_331, %parallel_loop3A_332] {strides = array<i32>} : memref<200x128xf32, #tpu.memory_space<vmem>>, vector<1x16xf32>,
        %parallel_loop3A_334 = vector.shape_cast %parallel_loop3A_333 : vector<1x16xf32> to vector<16xf32>
        %parallel_loop3A_335 = arith.index_cast %parallel_loop3A_312 : i32 to index
        %parallel_loop3A_336 = arith.constant 32 : index
        %parallel_loop3A_337 = tpu.vector_load %arg9[%parallel_loop3A_335, %parallel_loop3A_336] {strides = array<i32>} : memref<200x128xf32, #tpu.memory_space<vmem>>, vector<1x16xf32>,
        %parallel_loop3A_338 = vector.shape_cast %parallel_loop3A_337 : vector<1x16xf32> to vector<16xf32>
        %parallel_loop3A_339 = vector.shape_cast %parallel_loop3A_334 : vector<16xf32> to vector<1x16xf32>
        tpu.vector_store %arg9[%parallel_loop3A_335, %parallel_loop3A_336], %parallel_loop3A_339 {add = true, strides = array<i32>} : memref<200x128xf32, #tpu.memory_space<vmem>>, vector<1x16xf32>,
        %parallel_loop3A_340 = arith.index_cast %parallel_loop3A_312 : i32 to index
        %parallel_loop3A_341 = arith.constant 48 : index
        %parallel_loop3A_342 = tpu.vector_load %arg6[%parallel_loop3A_340, %parallel_loop3A_341] {strides = array<i32>} : memref<200x128xf32, #tpu.memory_space<vmem>>, vector<1x16xf32>,
        %parallel_loop3A_343 = vector.shape_cast %parallel_loop3A_342 : vector<1x16xf32> to vector<16xf32>
        %parallel_loop3A_344 = arith.index_cast %parallel_loop3A_312 : i32 to index
        %parallel_loop3A_345 = arith.constant 48 : index
        %parallel_loop3A_346 = tpu.vector_load %arg9[%parallel_loop3A_344, %parallel_loop3A_345] {strides = array<i32>} : memref<200x128xf32, #tpu.memory_space<vmem>>, vector<1x16xf32>,
        %parallel_loop3A_347 = vector.shape_cast %parallel_loop3A_346 : vector<1x16xf32> to vector<16xf32>
        %parallel_loop3A_348 = vector.shape_cast %parallel_loop3A_343 : vector<16xf32> to vector<1x16xf32>
        tpu.vector_store %arg9[%parallel_loop3A_344, %parallel_loop3A_345], %parallel_loop3A_348 {add = true, strides = array<i32>} : memref<200x128xf32, #tpu.memory_space<vmem>>, vector<1x16xf32>,
        %parallel_loop3A_349 = arith.index_cast %parallel_loop3A_312 : i32 to index
        %parallel_loop3A_350 = arith.constant 64 : index
        %parallel_loop3A_351 = tpu.vector_load %arg6[%parallel_loop3A_349, %parallel_loop3A_350] {strides = array<i32>} : memref<200x128xf32, #tpu.memory_space<vmem>>, vector<1x16xf32>,
        %parallel_loop3A_352 = vector.shape_cast %parallel_loop3A_351 : vector<1x16xf32> to vector<16xf32>
        %parallel_loop3A_353 = arith.index_cast %parallel_loop3A_312 : i32 to index
        %parallel_loop3A_354 = arith.constant 64 : index
        %parallel_loop3A_355 = tpu.vector_load %arg9[%parallel_loop3A_353, %parallel_loop3A_354] {strides = array<i32>} : memref<200x128xf32, #tpu.memory_space<vmem>>, vector<1x16xf32>,
        %parallel_loop3A_356 = vector.shape_cast %parallel_loop3A_355 : vector<1x16xf32> to vector<16xf32>
        %parallel_loop3A_357 = vector.shape_cast %parallel_loop3A_352 : vector<16xf32> to vector<1x16xf32>
        tpu.vector_store %arg9[%parallel_loop3A_353, %parallel_loop3A_354], %parallel_loop3A_357 {add = true, strides = array<i32>} : memref<200x128xf32, #tpu.memory_space<vmem>>, vector<1x16xf32>,
        %parallel_loop3A_358 = arith.index_cast %parallel_loop3A_312 : i32 to index
        %parallel_loop3A_359 = arith.constant 80 : index
        %parallel_loop3A_360 = tpu.vector_load %arg6[%parallel_loop3A_358, %parallel_loop3A_359] {strides = array<i32>} : memref<200x128xf32, #tpu.memory_space<vmem>>, vector<1x16xf32>,
        %parallel_loop3A_361 = vector.shape_cast %parallel_loop3A_360 : vector<1x16xf32> to vector<16xf32>
        %parallel_loop3A_362 = arith.index_cast %parallel_loop3A_312 : i32 to index
        %parallel_loop3A_363 = arith.constant 80 : index
        %parallel_loop3A_364 = tpu.vector_load %arg9[%parallel_loop3A_362, %parallel_loop3A_363] {strides = array<i32>} : memref<200x128xf32, #tpu.memory_space<vmem>>, vector<1x16xf32>,
        %parallel_loop3A_365 = vector.shape_cast %parallel_loop3A_364 : vector<1x16xf32> to vector<16xf32>
        %parallel_loop3A_366 = vector.shape_cast %parallel_loop3A_361 : vector<16xf32> to vector<1x16xf32>
        tpu.vector_store %arg9[%parallel_loop3A_362, %parallel_loop3A_363], %parallel_loop3A_366 {add = true, strides = array<i32>} : memref<200x128xf32, #tpu.memory_space<vmem>>, vector<1x16xf32>,
        %parallel_loop3A_367 = arith.index_cast %parallel_loop3A_312 : i32 to index
        %parallel_loop3A_368 = arith.constant 96 : index
        %parallel_loop3A_369 = tpu.vector_load %arg6[%parallel_loop3A_367, %parallel_loop3A_368] {strides = array<i32>} : memref<200x128xf32, #tpu.memory_space<vmem>>, vector<1x16xf32>,
        %parallel_loop3A_370 = vector.shape_cast %parallel_loop3A_369 : vector<1x16xf32> to vector<16xf32>
        %parallel_loop3A_371 = arith.index_cast %parallel_loop3A_312 : i32 to index
        %parallel_loop3A_372 = arith.constant 96 : index
        %parallel_loop3A_373 = tpu.vector_load %arg9[%parallel_loop3A_371, %parallel_loop3A_372] {strides = array<i32>} : memref<200x128xf32, #tpu.memory_space<vmem>>, vector<1x16xf32>,
        %parallel_loop3A_374 = vector.shape_cast %parallel_loop3A_373 : vector<1x16xf32> to vector<16xf32>
        %parallel_loop3A_375 = vector.shape_cast %parallel_loop3A_370 : vector<16xf32> to vector<1x16xf32>
        tpu.vector_store %arg9[%parallel_loop3A_371, %parallel_loop3A_372], %parallel_loop3A_375 {add = true, strides = array<i32>} : memref<200x128xf32, #tpu.memory_space<vmem>>, vector<1x16xf32>,
        %parallel_loop3A_376 = arith.index_cast %parallel_loop3A_312 : i32 to index
        %parallel_loop3A_377 = arith.constant 112 : index
        %parallel_loop3A_378 = tpu.vector_load %arg6[%parallel_loop3A_376, %parallel_loop3A_377] {strides = array<i32>} : memref<200x128xf32, #tpu.memory_space<vmem>>, vector<1x16xf32>,
        %parallel_loop3A_379 = vector.shape_cast %parallel_loop3A_378 : vector<1x16xf32> to vector<16xf32>
        %parallel_loop3A_380 = arith.index_cast %parallel_loop3A_312 : i32 to index
        %parallel_loop3A_381 = arith.constant 112 : index
        %parallel_loop3A_382 = tpu.vector_load %arg9[%parallel_loop3A_380, %parallel_loop3A_381] {strides = array<i32>} : memref<200x128xf32, #tpu.memory_space<vmem>>, vector<1x16xf32>,
        %parallel_loop3A_383 = vector.shape_cast %parallel_loop3A_382 : vector<1x16xf32> to vector<16xf32>
        %parallel_loop3A_384 = vector.shape_cast %parallel_loop3A_379 : vector<16xf32> to vector<1x16xf32>
        tpu.vector_store %arg9[%parallel_loop3A_380, %parallel_loop3A_381], %parallel_loop3A_384 {add = true, strides = array<i32>} : memref<200x128xf32, #tpu.memory_space<vmem>>, vector<1x16xf32>,
      } {sc.loop_unroll_factor = 8 : i64, sc.parallel_access}
      %mul3A_195 = arith.constant 200 : i32
      %mul3A_196 = arith.muli %add3A_185, %mul3A_195 : i32
      %add3A_197 = arith.addi %mul3A_4, %mul3A_196 : i32
      %dma_start3A_198 = arith.constant 0 : i32
      %dma_start3A_199 = tpu.memref_slice %arg5[%add3A_197, %dma_start3A_198] : memref<204800x128xf32, #tpu.memory_space<hbm>> -> memref<200x128xf32, #tpu.memory_space<hbm>>
      %dma_start3A_200 = arith.constant 0 : i32
      %dma_start3A_201 = tpu.memref_slice %arg5[%add3A_197, %dma_start3A_200] : memref<204800x128xf32, #tpu.memory_space<hbm>> -> memref<200x128xf32, #tpu.memory_space<hbm>>
      tpu.enqueue_dma source(%arg9 : memref<200x128xf32, #tpu.memory_space<vmem>>) target(%dma_start3A_201 : memref<200x128xf32, #tpu.memory_space<hbm>>) target_semaphore(%arg15 : memref<!tpu.dma_semaphore, #tpu.memory_space<semaphore_mem>>)
      %ge3A_202 = arith.constant 1 : i32
      %ge3A_203 = arith.cmpi sge, %add3A_185, %ge3A_202 : i32
      %convert_element_type3A_204 = arith.extui %ge3A_203 : i1 to i32
      %cond3A_205 = arith.constant 0 : i32
      %cond3A_206 = arith.cmpi ne, %convert_element_type3A_204, %cond3A_205 : i32
      scf.if %cond3A_206 {
        %dma_wait3A_312 = arith.constant 0 : i32
        %dma_wait3A_313 = arith.constant 0 : i32
        %dma_wait3A_314 = tpu.memref_slice %arg5[%dma_wait3A_312, %dma_wait3A_313] : memref<204800x128xf32, #tpu.memory_space<hbm>> -> memref<200x128xf32, #tpu.memory_space<hbm>>
        %dma_wait3A_315 = arith.constant 0 : i32
        %dma_wait3A_316 = arith.constant 0 : i32
        %dma_wait3A_317 = tpu.memref_slice %arg5[%dma_wait3A_315, %dma_wait3A_316] : memref<204800x128xf32, #tpu.memory_space<hbm>> -> memref<200x128xf32, #tpu.memory_space<hbm>>
        tpu.wait_dma2 semaphore(%arg14 : memref<!tpu.dma_semaphore, #tpu.memory_space<semaphore_mem>>) src(%dma_wait3A_317 : memref<200x128xf32, #tpu.memory_space<hbm>>) dst(%arg8 : memref<200x128xf32, #tpu.memory_space<vmem>>)
      } else {
      }
      %add3A_207 = arith.constant 2 : i32
      %add3A_208 = arith.addi %add3A_185, %add3A_207 : i32
      %mul3A_209 = arith.constant 200 : i32
      %mul3A_210 = arith.muli %add3A_208, %mul3A_209 : i32
      %add3A_211 = arith.constant 0 : i32
      %add3A_212 = arith.addi %mul3A_210, %add3A_211 : i32
      %dma_start3A_213 = arith.constant 0 : i32
      %dma_start3A_214 = arith.constant 0 : i32
      %dma_start3A_215 = tpu.memref_slice %arg8[%dma_start3A_213, %dma_start3A_214] : memref<200x128xf32, #tpu.memory_space<vmem>> -> memref<56x128xf32, #tpu.memory_space<vmem>>
      %dma_start3A_216 = tpu.memref_slice %arg7[%add3A_212] : memref<6400xi32, #tpu.memory_space<vmem>> -> memref<56xi32, #tpu.memory_space<vmem>>
      %dma_start3A_217 = arith.constant 0 : i32
      %dma_start3A_218 = arith.constant 0 : i32
      %dma_start3A_219 = tpu.memref_slice %arg3[%dma_start3A_217, %dma_start3A_218] : memref<100000x128xf32, #tpu.memory_space<hbm>> -> memref<100000x128xf32, #tpu.memory_space<hbm>>
      tpu.enqueue_indirect_dma source(%dma_start3A_219 : memref<100000x128xf32, #tpu.memory_space<hbm>>) target(%dma_start3A_215 : memref<56x128xf32, #tpu.memory_space<vmem>>) offsets(%dma_start3A_216 : memref<56xi32, #tpu.memory_space<vmem>>) semaphore(%arg11 : memref<!tpu.dma_semaphore, #tpu.memory_space<semaphore_mem>>)
      %add3A_220 = arith.constant 56 : i32
      %add3A_221 = arith.addi %mul3A_210, %add3A_220 : i32
      %dma_start3A_222 = arith.constant 56 : i32
      %dma_start3A_223 = arith.constant 0 : i32
      %dma_start3A_224 = tpu.memref_slice %arg8[%dma_start3A_222, %dma_start3A_223] : memref<200x128xf32, #tpu.memory_space<vmem>> -> memref<48x128xf32, #tpu.memory_space<vmem>>
      %dma_start3A_225 = tpu.memref_slice %arg7[%add3A_221] : memref<6400xi32, #tpu.memory_space<vmem>> -> memref<48xi32, #tpu.memory_space<vmem>>
      %dma_start3A_226 = arith.constant 0 : i32
      %dma_start3A_227 = arith.constant 0 : i32
      %dma_start3A_228 = tpu.memref_slice %arg3[%dma_start3A_226, %dma_start3A_227] : memref<100000x128xf32, #tpu.memory_space<hbm>> -> memref<100000x128xf32, #tpu.memory_space<hbm>>
      tpu.enqueue_indirect_dma source(%dma_start3A_228 : memref<100000x128xf32, #tpu.memory_space<hbm>>) target(%dma_start3A_224 : memref<48x128xf32, #tpu.memory_space<vmem>>) offsets(%dma_start3A_225 : memref<48xi32, #tpu.memory_space<vmem>>) semaphore(%arg11 : memref<!tpu.dma_semaphore, #tpu.memory_space<semaphore_mem>>)
      %add3A_229 = arith.constant 104 : i32
      %add3A_230 = arith.addi %mul3A_210, %add3A_229 : i32
      %dma_start3A_231 = arith.constant 104 : i32
      %dma_start3A_232 = arith.constant 0 : i32
      %dma_start3A_233 = tpu.memref_slice %arg8[%dma_start3A_231, %dma_start3A_232] : memref<200x128xf32, #tpu.memory_space<vmem>> -> memref<48x128xf32, #tpu.memory_space<vmem>>
      %dma_start3A_234 = tpu.memref_slice %arg7[%add3A_230] : memref<6400xi32, #tpu.memory_space<vmem>> -> memref<48xi32, #tpu.memory_space<vmem>>
      %dma_start3A_235 = arith.constant 0 : i32
      %dma_start3A_236 = arith.constant 0 : i32
      %dma_start3A_237 = tpu.memref_slice %arg3[%dma_start3A_235, %dma_start3A_236] : memref<100000x128xf32, #tpu.memory_space<hbm>> -> memref<100000x128xf32, #tpu.memory_space<hbm>>
      tpu.enqueue_indirect_dma source(%dma_start3A_237 : memref<100000x128xf32, #tpu.memory_space<hbm>>) target(%dma_start3A_233 : memref<48x128xf32, #tpu.memory_space<vmem>>) offsets(%dma_start3A_234 : memref<48xi32, #tpu.memory_space<vmem>>) semaphore(%arg11 : memref<!tpu.dma_semaphore, #tpu.memory_space<semaphore_mem>>)
      %add3A_238 = arith.constant 152 : i32
      %add3A_239 = arith.addi %mul3A_210, %add3A_238 : i32
      %dma_start3A_240 = arith.constant 152 : i32
      %dma_start3A_241 = arith.constant 0 : i32
      %dma_start3A_242 = tpu.memref_slice %arg8[%dma_start3A_240, %dma_start3A_241] : memref<200x128xf32, #tpu.memory_space<vmem>> -> memref<48x128xf32, #tpu.memory_space<vmem>>
      %dma_start3A_243 = tpu.memref_slice %arg7[%add3A_239] : memref<6400xi32, #tpu.memory_space<vmem>> -> memref<48xi32, #tpu.memory_space<vmem>>
      %dma_start3A_244 = arith.constant 0 : i32
      %dma_start3A_245 = arith.constant 0 : i32
      %dma_start3A_246 = tpu.memref_slice %arg3[%dma_start3A_244, %dma_start3A_245] : memref<100000x128xf32, #tpu.memory_space<hbm>> -> memref<100000x128xf32, #tpu.memory_space<hbm>>
      tpu.enqueue_indirect_dma source(%dma_start3A_246 : memref<100000x128xf32, #tpu.memory_space<hbm>>) target(%dma_start3A_242 : memref<48x128xf32, #tpu.memory_space<vmem>>) offsets(%dma_start3A_243 : memref<48xi32, #tpu.memory_space<vmem>>) semaphore(%arg11 : memref<!tpu.dma_semaphore, #tpu.memory_space<semaphore_mem>>)
      %mul3A_247 = arith.constant 3 : i32
      %mul3A_248 = arith.muli %scan3A_119, %mul3A_247 : i32
      %add3A_249 = arith.constant 2 : i32
      %add3A_250 = arith.addi %mul3A_248, %add3A_249 : i32
      %dma_wait3A_251 = arith.constant 0 : i32
      %dma_wait3A_252 = arith.constant 0 : i32
      %dma_wait3A_253 = tpu.memref_slice %arg5[%dma_wait3A_251, %dma_wait3A_252] : memref<204800x128xf32, #tpu.memory_space<hbm>> -> memref<200x128xf32, #tpu.memory_space<hbm>>
      %dma_wait3A_254 = arith.constant 0 : i32
      %dma_wait3A_255 = arith.constant 0 : i32
      %dma_wait3A_256 = tpu.memref_slice %arg5[%dma_wait3A_254, %dma_wait3A_255] : memref<204800x128xf32, #tpu.memory_space<hbm>> -> memref<200x128xf32, #tpu.memory_space<hbm>>
      tpu.wait_dma2 semaphore(%arg13 : memref<!tpu.dma_semaphore, #tpu.memory_space<semaphore_mem>>) src(%dma_wait3A_256 : memref<200x128xf32, #tpu.memory_space<hbm>>) dst(%arg10 : memref<200x128xf32, #tpu.memory_space<vmem>>)
      %parallel_loop3A_257 = arith.constant 0 : i32
      %parallel_loop3A_258 = arith.constant 200 : i32
      %parallel_loop3A_259 = arith.constant 1 : i32
      scf.for %parallel_loop3A_312 = %parallel_loop3A_257 to %parallel_loop3A_258 step %parallel_loop3A_259  : i32 {
        %parallel_loop3A_313 = arith.index_cast %parallel_loop3A_312 : i32 to index
        %parallel_loop3A_314 = arith.constant 0 : index
        %parallel_loop3A_315 = tpu.vector_load %arg6[%parallel_loop3A_313, %parallel_loop3A_314] {strides = array<i32>} : memref<200x128xf32, #tpu.memory_space<vmem>>, vector<1x16xf32>,
        %parallel_loop3A_316 = vector.shape_cast %parallel_loop3A_315 : vector<1x16xf32> to vector<16xf32>
        %parallel_loop3A_317 = arith.index_cast %parallel_loop3A_312 : i32 to index
        %parallel_loop3A_318 = arith.constant 0 : index
        %parallel_loop3A_319 = tpu.vector_load %arg10[%parallel_loop3A_317, %parallel_loop3A_318] {strides = array<i32>} : memref<200x128xf32, #tpu.memory_space<vmem>>, vector<1x16xf32>,
        %parallel_loop3A_320 = vector.shape_cast %parallel_loop3A_319 : vector<1x16xf32> to vector<16xf32>
        %parallel_loop3A_321 = vector.shape_cast %parallel_loop3A_316 : vector<16xf32> to vector<1x16xf32>
        tpu.vector_store %arg10[%parallel_loop3A_317, %parallel_loop3A_318], %parallel_loop3A_321 {add = true, strides = array<i32>} : memref<200x128xf32, #tpu.memory_space<vmem>>, vector<1x16xf32>,
        %parallel_loop3A_322 = arith.index_cast %parallel_loop3A_312 : i32 to index
        %parallel_loop3A_323 = arith.constant 16 : index
        %parallel_loop3A_324 = tpu.vector_load %arg6[%parallel_loop3A_322, %parallel_loop3A_323] {strides = array<i32>} : memref<200x128xf32, #tpu.memory_space<vmem>>, vector<1x16xf32>,
        %parallel_loop3A_325 = vector.shape_cast %parallel_loop3A_324 : vector<1x16xf32> to vector<16xf32>
        %parallel_loop3A_326 = arith.index_cast %parallel_loop3A_312 : i32 to index
        %parallel_loop3A_327 = arith.constant 16 : index
        %parallel_loop3A_328 = tpu.vector_load %arg10[%parallel_loop3A_326, %parallel_loop3A_327] {strides = array<i32>} : memref<200x128xf32, #tpu.memory_space<vmem>>, vector<1x16xf32>,
        %parallel_loop3A_329 = vector.shape_cast %parallel_loop3A_328 : vector<1x16xf32> to vector<16xf32>
        %parallel_loop3A_330 = vector.shape_cast %parallel_loop3A_325 : vector<16xf32> to vector<1x16xf32>
        tpu.vector_store %arg10[%parallel_loop3A_326, %parallel_loop3A_327], %parallel_loop3A_330 {add = true, strides = array<i32>} : memref<200x128xf32, #tpu.memory_space<vmem>>, vector<1x16xf32>,
        %parallel_loop3A_331 = arith.index_cast %parallel_loop3A_312 : i32 to index
        %parallel_loop3A_332 = arith.constant 32 : index
        %parallel_loop3A_333 = tpu.vector_load %arg6[%parallel_loop3A_331, %parallel_loop3A_332] {strides = array<i32>} : memref<200x128xf32, #tpu.memory_space<vmem>>, vector<1x16xf32>,
        %parallel_loop3A_334 = vector.shape_cast %parallel_loop3A_333 : vector<1x16xf32> to vector<16xf32>
        %parallel_loop3A_335 = arith.index_cast %parallel_loop3A_312 : i32 to index
        %parallel_loop3A_336 = arith.constant 32 : index
        %parallel_loop3A_337 = tpu.vector_load %arg10[%parallel_loop3A_335, %parallel_loop3A_336] {strides = array<i32>} : memref<200x128xf32, #tpu.memory_space<vmem>>, vector<1x16xf32>,
        %parallel_loop3A_338 = vector.shape_cast %parallel_loop3A_337 : vector<1x16xf32> to vector<16xf32>
        %parallel_loop3A_339 = vector.shape_cast %parallel_loop3A_334 : vector<16xf32> to vector<1x16xf32>
        tpu.vector_store %arg10[%parallel_loop3A_335, %parallel_loop3A_336], %parallel_loop3A_339 {add = true, strides = array<i32>} : memref<200x128xf32, #tpu.memory_space<vmem>>, vector<1x16xf32>,
        %parallel_loop3A_340 = arith.index_cast %parallel_loop3A_312 : i32 to index
        %parallel_loop3A_341 = arith.constant 48 : index
        %parallel_loop3A_342 = tpu.vector_load %arg6[%parallel_loop3A_340, %parallel_loop3A_341] {strides = array<i32>} : memref<200x128xf32, #tpu.memory_space<vmem>>, vector<1x16xf32>,
        %parallel_loop3A_343 = vector.shape_cast %parallel_loop3A_342 : vector<1x16xf32> to vector<16xf32>
        %parallel_loop3A_344 = arith.index_cast %parallel_loop3A_312 : i32 to index
        %parallel_loop3A_345 = arith.constant 48 : index
        %parallel_loop3A_346 = tpu.vector_load %arg10[%parallel_loop3A_344, %parallel_loop3A_345] {strides = array<i32>} : memref<200x128xf32, #tpu.memory_space<vmem>>, vector<1x16xf32>,
        %parallel_loop3A_347 = vector.shape_cast %parallel_loop3A_346 : vector<1x16xf32> to vector<16xf32>
        %parallel_loop3A_348 = vector.shape_cast %parallel_loop3A_343 : vector<16xf32> to vector<1x16xf32>
        tpu.vector_store %arg10[%parallel_loop3A_344, %parallel_loop3A_345], %parallel_loop3A_348 {add = true, strides = array<i32>} : memref<200x128xf32, #tpu.memory_space<vmem>>, vector<1x16xf32>,
        %parallel_loop3A_349 = arith.index_cast %parallel_loop3A_312 : i32 to index
        %parallel_loop3A_350 = arith.constant 64 : index
        %parallel_loop3A_351 = tpu.vector_load %arg6[%parallel_loop3A_349, %parallel_loop3A_350] {strides = array<i32>} : memref<200x128xf32, #tpu.memory_space<vmem>>, vector<1x16xf32>,
        %parallel_loop3A_352 = vector.shape_cast %parallel_loop3A_351 : vector<1x16xf32> to vector<16xf32>
        %parallel_loop3A_353 = arith.index_cast %parallel_loop3A_312 : i32 to index
        %parallel_loop3A_354 = arith.constant 64 : index
        %parallel_loop3A_355 = tpu.vector_load %arg10[%parallel_loop3A_353, %parallel_loop3A_354] {strides = array<i32>} : memref<200x128xf32, #tpu.memory_space<vmem>>, vector<1x16xf32>,
        %parallel_loop3A_356 = vector.shape_cast %parallel_loop3A_355 : vector<1x16xf32> to vector<16xf32>
        %parallel_loop3A_357 = vector.shape_cast %parallel_loop3A_352 : vector<16xf32> to vector<1x16xf32>
        tpu.vector_store %arg10[%parallel_loop3A_353, %parallel_loop3A_354], %parallel_loop3A_357 {add = true, strides = array<i32>} : memref<200x128xf32, #tpu.memory_space<vmem>>, vector<1x16xf32>,
        %parallel_loop3A_358 = arith.index_cast %parallel_loop3A_312 : i32 to index
        %parallel_loop3A_359 = arith.constant 80 : index
        %parallel_loop3A_360 = tpu.vector_load %arg6[%parallel_loop3A_358, %parallel_loop3A_359] {strides = array<i32>} : memref<200x128xf32, #tpu.memory_space<vmem>>, vector<1x16xf32>,
        %parallel_loop3A_361 = vector.shape_cast %parallel_loop3A_360 : vector<1x16xf32> to vector<16xf32>
        %parallel_loop3A_362 = arith.index_cast %parallel_loop3A_312 : i32 to index
        %parallel_loop3A_363 = arith.constant 80 : index
        %parallel_loop3A_364 = tpu.vector_load %arg10[%parallel_loop3A_362, %parallel_loop3A_363] {strides = array<i32>} : memref<200x128xf32, #tpu.memory_space<vmem>>, vector<1x16xf32>,
        %parallel_loop3A_365 = vector.shape_cast %parallel_loop3A_364 : vector<1x16xf32> to vector<16xf32>
        %parallel_loop3A_366 = vector.shape_cast %parallel_loop3A_361 : vector<16xf32> to vector<1x16xf32>
        tpu.vector_store %arg10[%parallel_loop3A_362, %parallel_loop3A_363], %parallel_loop3A_366 {add = true, strides = array<i32>} : memref<200x128xf32, #tpu.memory_space<vmem>>, vector<1x16xf32>,
        %parallel_loop3A_367 = arith.index_cast %parallel_loop3A_312 : i32 to index
        %parallel_loop3A_368 = arith.constant 96 : index
        %parallel_loop3A_369 = tpu.vector_load %arg6[%parallel_loop3A_367, %parallel_loop3A_368] {strides = array<i32>} : memref<200x128xf32, #tpu.memory_space<vmem>>, vector<1x16xf32>,
        %parallel_loop3A_370 = vector.shape_cast %parallel_loop3A_369 : vector<1x16xf32> to vector<16xf32>
        %parallel_loop3A_371 = arith.index_cast %parallel_loop3A_312 : i32 to index
        %parallel_loop3A_372 = arith.constant 96 : index
        %parallel_loop3A_373 = tpu.vector_load %arg10[%parallel_loop3A_371, %parallel_loop3A_372] {strides = array<i32>} : memref<200x128xf32, #tpu.memory_space<vmem>>, vector<1x16xf32>,
        %parallel_loop3A_374 = vector.shape_cast %parallel_loop3A_373 : vector<1x16xf32> to vector<16xf32>
        %parallel_loop3A_375 = vector.shape_cast %parallel_loop3A_370 : vector<16xf32> to vector<1x16xf32>
        tpu.vector_store %arg10[%parallel_loop3A_371, %parallel_loop3A_372], %parallel_loop3A_375 {add = true, strides = array<i32>} : memref<200x128xf32, #tpu.memory_space<vmem>>, vector<1x16xf32>,
        %parallel_loop3A_376 = arith.index_cast %parallel_loop3A_312 : i32 to index
        %parallel_loop3A_377 = arith.constant 112 : index
        %parallel_loop3A_378 = tpu.vector_load %arg6[%parallel_loop3A_376, %parallel_loop3A_377] {strides = array<i32>} : memref<200x128xf32, #tpu.memory_space<vmem>>, vector<1x16xf32>,
        %parallel_loop3A_379 = vector.shape_cast %parallel_loop3A_378 : vector<1x16xf32> to vector<16xf32>
        %parallel_loop3A_380 = arith.index_cast %parallel_loop3A_312 : i32 to index
        %parallel_loop3A_381 = arith.constant 112 : index
        %parallel_loop3A_382 = tpu.vector_load %arg10[%parallel_loop3A_380, %parallel_loop3A_381] {strides = array<i32>} : memref<200x128xf32, #tpu.memory_space<vmem>>, vector<1x16xf32>,
        %parallel_loop3A_383 = vector.shape_cast %parallel_loop3A_382 : vector<1x16xf32> to vector<16xf32>
        %parallel_loop3A_384 = vector.shape_cast %parallel_loop3A_379 : vector<16xf32> to vector<1x16xf32>
        tpu.vector_store %arg10[%parallel_loop3A_380, %parallel_loop3A_381], %parallel_loop3A_384 {add = true, strides = array<i32>} : memref<200x128xf32, #tpu.memory_space<vmem>>, vector<1x16xf32>,
      } {sc.loop_unroll_factor = 8 : i64, sc.parallel_access}
      %mul3A_260 = arith.constant 200 : i32
      %mul3A_261 = arith.muli %add3A_250, %mul3A_260 : i32
      %add3A_262 = arith.addi %mul3A_4, %mul3A_261 : i32
      %dma_start3A_263 = arith.constant 0 : i32
      %dma_start3A_264 = tpu.memref_slice %arg5[%add3A_262, %dma_start3A_263] : memref<204800x128xf32, #tpu.memory_space<hbm>> -> memref<200x128xf32, #tpu.memory_space<hbm>>
      %dma_start3A_265 = arith.constant 0 : i32
      %dma_start3A_266 = tpu.memref_slice %arg5[%add3A_262, %dma_start3A_265] : memref<204800x128xf32, #tpu.memory_space<hbm>> -> memref<200x128xf32, #tpu.memory_space<hbm>>
      tpu.enqueue_dma source(%arg10 : memref<200x128xf32, #tpu.memory_space<vmem>>) target(%dma_start3A_266 : memref<200x128xf32, #tpu.memory_space<hbm>>) target_semaphore(%arg16 : memref<!tpu.dma_semaphore, #tpu.memory_space<semaphore_mem>>)
      %ge3A_267 = arith.constant 1 : i32
      %ge3A_268 = arith.cmpi sge, %add3A_250, %ge3A_267 : i32
      %convert_element_type3A_269 = arith.extui %ge3A_268 : i1 to i32
      %cond3A_270 = arith.constant 0 : i32
      %cond3A_271 = arith.cmpi ne, %convert_element_type3A_269, %cond3A_270 : i32
      scf.if %cond3A_271 {
        %dma_wait3A_312 = arith.constant 0 : i32
        %dma_wait3A_313 = arith.constant 0 : i32
        %dma_wait3A_314 = tpu.memref_slice %arg5[%dma_wait3A_312, %dma_wait3A_313] : memref<204800x128xf32, #tpu.memory_space<hbm>> -> memref<200x128xf32, #tpu.memory_space<hbm>>
        %dma_wait3A_315 = arith.constant 0 : i32
        %dma_wait3A_316 = arith.constant 0 : i32
        %dma_wait3A_317 = tpu.memref_slice %arg5[%dma_wait3A_315, %dma_wait3A_316] : memref<204800x128xf32, #tpu.memory_space<hbm>> -> memref<200x128xf32, #tpu.memory_space<hbm>>
        tpu.wait_dma2 semaphore(%arg15 : memref<!tpu.dma_semaphore, #tpu.memory_space<semaphore_mem>>) src(%dma_wait3A_317 : memref<200x128xf32, #tpu.memory_space<hbm>>) dst(%arg9 : memref<200x128xf32, #tpu.memory_space<vmem>>)
      } else {
      }
      %add3A_272 = arith.constant 2 : i32
      %add3A_273 = arith.addi %add3A_250, %add3A_272 : i32
      %mul3A_274 = arith.constant 200 : i32
      %mul3A_275 = arith.muli %add3A_273, %mul3A_274 : i32
      %add3A_276 = arith.constant 0 : i32
      %add3A_277 = arith.addi %mul3A_275, %add3A_276 : i32
      %dma_start3A_278 = arith.constant 0 : i32
      %dma_start3A_279 = arith.constant 0 : i32
      %dma_start3A_280 = tpu.memref_slice %arg9[%dma_start3A_278, %dma_start3A_279] : memref<200x128xf32, #tpu.memory_space<vmem>> -> memref<56x128xf32, #tpu.memory_space<vmem>>
      %dma_start3A_281 = tpu.memref_slice %arg7[%add3A_277] : memref<6400xi32, #tpu.memory_space<vmem>> -> memref<56xi32, #tpu.memory_space<vmem>>
      %dma_start3A_282 = arith.constant 0 : i32
      %dma_start3A_283 = arith.constant 0 : i32
      %dma_start3A_284 = tpu.memref_slice %arg3[%dma_start3A_282, %dma_start3A_283] : memref<100000x128xf32, #tpu.memory_space<hbm>> -> memref<100000x128xf32, #tpu.memory_space<hbm>>
      tpu.enqueue_indirect_dma source(%dma_start3A_284 : memref<100000x128xf32, #tpu.memory_space<hbm>>) target(%dma_start3A_280 : memref<56x128xf32, #tpu.memory_space<vmem>>) offsets(%dma_start3A_281 : memref<56xi32, #tpu.memory_space<vmem>>) semaphore(%arg12 : memref<!tpu.dma_semaphore, #tpu.memory_space<semaphore_mem>>)
      %add3A_285 = arith.constant 56 : i32
      %add3A_286 = arith.addi %mul3A_275, %add3A_285 : i32
      %dma_start3A_287 = arith.constant 56 : i32
      %dma_start3A_288 = arith.constant 0 : i32
      %dma_start3A_289 = tpu.memref_slice %arg9[%dma_start3A_287, %dma_start3A_288] : memref<200x128xf32, #tpu.memory_space<vmem>> -> memref<48x128xf32, #tpu.memory_space<vmem>>
      %dma_start3A_290 = tpu.memref_slice %arg7[%add3A_286] : memref<6400xi32, #tpu.memory_space<vmem>> -> memref<48xi32, #tpu.memory_space<vmem>>
      %dma_start3A_291 = arith.constant 0 : i32
      %dma_start3A_292 = arith.constant 0 : i32
      %dma_start3A_293 = tpu.memref_slice %arg3[%dma_start3A_291, %dma_start3A_292] : memref<100000x128xf32, #tpu.memory_space<hbm>> -> memref<100000x128xf32, #tpu.memory_space<hbm>>
      tpu.enqueue_indirect_dma source(%dma_start3A_293 : memref<100000x128xf32, #tpu.memory_space<hbm>>) target(%dma_start3A_289 : memref<48x128xf32, #tpu.memory_space<vmem>>) offsets(%dma_start3A_290 : memref<48xi32, #tpu.memory_space<vmem>>) semaphore(%arg12 : memref<!tpu.dma_semaphore, #tpu.memory_space<semaphore_mem>>)
      %add3A_294 = arith.constant 104 : i32
      %add3A_295 = arith.addi %mul3A_275, %add3A_294 : i32
      %dma_start3A_296 = arith.constant 104 : i32
      %dma_start3A_297 = arith.constant 0 : i32
      %dma_start3A_298 = tpu.memref_slice %arg9[%dma_start3A_296, %dma_start3A_297] : memref<200x128xf32, #tpu.memory_space<vmem>> -> memref<48x128xf32, #tpu.memory_space<vmem>>
      %dma_start3A_299 = tpu.memref_slice %arg7[%add3A_295] : memref<6400xi32, #tpu.memory_space<vmem>> -> memref<48xi32, #tpu.memory_space<vmem>>
      %dma_start3A_300 = arith.constant 0 : i32
      %dma_start3A_301 = arith.constant 0 : i32
      %dma_start3A_302 = tpu.memref_slice %arg3[%dma_start3A_300, %dma_start3A_301] : memref<100000x128xf32, #tpu.memory_space<hbm>> -> memref<100000x128xf32, #tpu.memory_space<hbm>>
      tpu.enqueue_indirect_dma source(%dma_start3A_302 : memref<100000x128xf32, #tpu.memory_space<hbm>>) target(%dma_start3A_298 : memref<48x128xf32, #tpu.memory_space<vmem>>) offsets(%dma_start3A_299 : memref<48xi32, #tpu.memory_space<vmem>>) semaphore(%arg12 : memref<!tpu.dma_semaphore, #tpu.memory_space<semaphore_mem>>)
      %add3A_303 = arith.constant 152 : i32
      %add3A_304 = arith.addi %mul3A_275, %add3A_303 : i32
      %dma_start3A_305 = arith.constant 152 : i32
      %dma_start3A_306 = arith.constant 0 : i32
      %dma_start3A_307 = tpu.memref_slice %arg9[%dma_start3A_305, %dma_start3A_306] : memref<200x128xf32, #tpu.memory_space<vmem>> -> memref<48x128xf32, #tpu.memory_space<vmem>>
      %dma_start3A_308 = tpu.memref_slice %arg7[%add3A_304] : memref<6400xi32, #tpu.memory_space<vmem>> -> memref<48xi32, #tpu.memory_space<vmem>>
      %dma_start3A_309 = arith.constant 0 : i32
      %dma_start3A_310 = arith.constant 0 : i32
      %dma_start3A_311 = tpu.memref_slice %arg3[%dma_start3A_309, %dma_start3A_310] : memref<100000x128xf32, #tpu.memory_space<hbm>> -> memref<100000x128xf32, #tpu.memory_space<hbm>>
      tpu.enqueue_indirect_dma source(%dma_start3A_311 : memref<100000x128xf32, #tpu.memory_space<hbm>>) target(%dma_start3A_307 : memref<48x128xf32, #tpu.memory_space<vmem>>) offsets(%dma_start3A_308 : memref<48xi32, #tpu.memory_space<vmem>>) semaphore(%arg12 : memref<!tpu.dma_semaphore, #tpu.memory_space<semaphore_mem>>)
    }
    %scan3A_72 = arith.constant 10 : i32
    %dma_wait3A = arith.constant 0 : i32
    %dma_wait3A_73 = arith.constant 0 : i32
    %dma_wait3A_74 = tpu.memref_slice %arg5[%dma_wait3A, %dma_wait3A_73] : memref<204800x128xf32, #tpu.memory_space<hbm>> -> memref<200x128xf32, #tpu.memory_space<hbm>>
    %dma_wait3A_75 = arith.constant 0 : i32
    %dma_wait3A_76 = arith.constant 0 : i32
    %dma_wait3A_77 = tpu.memref_slice %arg5[%dma_wait3A_75, %dma_wait3A_76] : memref<204800x128xf32, #tpu.memory_space<hbm>> -> memref<200x128xf32, #tpu.memory_space<hbm>>
    tpu.wait_dma2 semaphore(%arg11 : memref<!tpu.dma_semaphore, #tpu.memory_space<semaphore_mem>>) src(%dma_wait3A_77 : memref<200x128xf32, #tpu.memory_space<hbm>>) dst(%arg8 : memref<200x128xf32, #tpu.memory_space<vmem>>)
    %parallel_loop3A = arith.constant 0 : i32
    %parallel_loop3A_78 = arith.constant 200 : i32
    %parallel_loop3A_79 = arith.constant 1 : i32
    scf.for %parallel_loop3A_119 = %parallel_loop3A to %parallel_loop3A_78 step %parallel_loop3A_79  : i32 {
      %parallel_loop3A_120 = arith.index_cast %parallel_loop3A_119 : i32 to index
      %parallel_loop3A_121 = arith.constant 0 : index
      %parallel_loop3A_122 = tpu.vector_load %arg6[%parallel_loop3A_120, %parallel_loop3A_121] {strides = array<i32>} : memref<200x128xf32, #tpu.memory_space<vmem>>, vector<1x16xf32>,
      %parallel_loop3A_123 = vector.shape_cast %parallel_loop3A_122 : vector<1x16xf32> to vector<16xf32>
      %parallel_loop3A_124 = arith.index_cast %parallel_loop3A_119 : i32 to index
      %parallel_loop3A_125 = arith.constant 0 : index
      %parallel_loop3A_126 = tpu.vector_load %arg8[%parallel_loop3A_124, %parallel_loop3A_125] {strides = array<i32>} : memref<200x128xf32, #tpu.memory_space<vmem>>, vector<1x16xf32>,
      %parallel_loop3A_127 = vector.shape_cast %parallel_loop3A_126 : vector<1x16xf32> to vector<16xf32>
      %parallel_loop3A_128 = vector.shape_cast %parallel_loop3A_123 : vector<16xf32> to vector<1x16xf32>
      tpu.vector_store %arg8[%parallel_loop3A_124, %parallel_loop3A_125], %parallel_loop3A_128 {add = true, strides = array<i32>} : memref<200x128xf32, #tpu.memory_space<vmem>>, vector<1x16xf32>,
      %parallel_loop3A_129 = arith.index_cast %parallel_loop3A_119 : i32 to index
      %parallel_loop3A_130 = arith.constant 16 : index
      %parallel_loop3A_131 = tpu.vector_load %arg6[%parallel_loop3A_129, %parallel_loop3A_130] {strides = array<i32>} : memref<200x128xf32, #tpu.memory_space<vmem>>, vector<1x16xf32>,
      %parallel_loop3A_132 = vector.shape_cast %parallel_loop3A_131 : vector<1x16xf32> to vector<16xf32>
      %parallel_loop3A_133 = arith.index_cast %parallel_loop3A_119 : i32 to index
      %parallel_loop3A_134 = arith.constant 16 : index
      %parallel_loop3A_135 = tpu.vector_load %arg8[%parallel_loop3A_133, %parallel_loop3A_134] {strides = array<i32>} : memref<200x128xf32, #tpu.memory_space<vmem>>, vector<1x16xf32>,
      %parallel_loop3A_136 = vector.shape_cast %parallel_loop3A_135 : vector<1x16xf32> to vector<16xf32>
      %parallel_loop3A_137 = vector.shape_cast %parallel_loop3A_132 : vector<16xf32> to vector<1x16xf32>
      tpu.vector_store %arg8[%parallel_loop3A_133, %parallel_loop3A_134], %parallel_loop3A_137 {add = true, strides = array<i32>} : memref<200x128xf32, #tpu.memory_space<vmem>>, vector<1x16xf32>,
      %parallel_loop3A_138 = arith.index_cast %parallel_loop3A_119 : i32 to index
      %parallel_loop3A_139 = arith.constant 32 : index
      %parallel_loop3A_140 = tpu.vector_load %arg6[%parallel_loop3A_138, %parallel_loop3A_139] {strides = array<i32>} : memref<200x128xf32, #tpu.memory_space<vmem>>, vector<1x16xf32>,
      %parallel_loop3A_141 = vector.shape_cast %parallel_loop3A_140 : vector<1x16xf32> to vector<16xf32>
      %parallel_loop3A_142 = arith.index_cast %parallel_loop3A_119 : i32 to index
      %parallel_loop3A_143 = arith.constant 32 : index
      %parallel_loop3A_144 = tpu.vector_load %arg8[%parallel_loop3A_142, %parallel_loop3A_143] {strides = array<i32>} : memref<200x128xf32, #tpu.memory_space<vmem>>, vector<1x16xf32>,
      %parallel_loop3A_145 = vector.shape_cast %parallel_loop3A_144 : vector<1x16xf32> to vector<16xf32>
      %parallel_loop3A_146 = vector.shape_cast %parallel_loop3A_141 : vector<16xf32> to vector<1x16xf32>
      tpu.vector_store %arg8[%parallel_loop3A_142, %parallel_loop3A_143], %parallel_loop3A_146 {add = true, strides = array<i32>} : memref<200x128xf32, #tpu.memory_space<vmem>>, vector<1x16xf32>,
      %parallel_loop3A_147 = arith.index_cast %parallel_loop3A_119 : i32 to index
      %parallel_loop3A_148 = arith.constant 48 : index
      %parallel_loop3A_149 = tpu.vector_load %arg6[%parallel_loop3A_147, %parallel_loop3A_148] {strides = array<i32>} : memref<200x128xf32, #tpu.memory_space<vmem>>, vector<1x16xf32>,
      %parallel_loop3A_150 = vector.shape_cast %parallel_loop3A_149 : vector<1x16xf32> to vector<16xf32>
      %parallel_loop3A_151 = arith.index_cast %parallel_loop3A_119 : i32 to index
      %parallel_loop3A_152 = arith.constant 48 : index
      %parallel_loop3A_153 = tpu.vector_load %arg8[%parallel_loop3A_151, %parallel_loop3A_152] {strides = array<i32>} : memref<200x128xf32, #tpu.memory_space<vmem>>, vector<1x16xf32>,
      %parallel_loop3A_154 = vector.shape_cast %parallel_loop3A_153 : vector<1x16xf32> to vector<16xf32>
      %parallel_loop3A_155 = vector.shape_cast %parallel_loop3A_150 : vector<16xf32> to vector<1x16xf32>
      tpu.vector_store %arg8[%parallel_loop3A_151, %parallel_loop3A_152], %parallel_loop3A_155 {add = true, strides = array<i32>} : memref<200x128xf32, #tpu.memory_space<vmem>>, vector<1x16xf32>,
      %parallel_loop3A_156 = arith.index_cast %parallel_loop3A_119 : i32 to index
      %parallel_loop3A_157 = arith.constant 64 : index
      %parallel_loop3A_158 = tpu.vector_load %arg6[%parallel_loop3A_156, %parallel_loop3A_157] {strides = array<i32>} : memref<200x128xf32, #tpu.memory_space<vmem>>, vector<1x16xf32>,
      %parallel_loop3A_159 = vector.shape_cast %parallel_loop3A_158 : vector<1x16xf32> to vector<16xf32>
      %parallel_loop3A_160 = arith.index_cast %parallel_loop3A_119 : i32 to index
      %parallel_loop3A_161 = arith.constant 64 : index
      %parallel_loop3A_162 = tpu.vector_load %arg8[%parallel_loop3A_160, %parallel_loop3A_161] {strides = array<i32>} : memref<200x128xf32, #tpu.memory_space<vmem>>, vector<1x16xf32>,
      %parallel_loop3A_163 = vector.shape_cast %parallel_loop3A_162 : vector<1x16xf32> to vector<16xf32>
      %parallel_loop3A_164 = vector.shape_cast %parallel_loop3A_159 : vector<16xf32> to vector<1x16xf32>
      tpu.vector_store %arg8[%parallel_loop3A_160, %parallel_loop3A_161], %parallel_loop3A_164 {add = true, strides = array<i32>} : memref<200x128xf32, #tpu.memory_space<vmem>>, vector<1x16xf32>,
      %parallel_loop3A_165 = arith.index_cast %parallel_loop3A_119 : i32 to index
      %parallel_loop3A_166 = arith.constant 80 : index
      %parallel_loop3A_167 = tpu.vector_load %arg6[%parallel_loop3A_165, %parallel_loop3A_166] {strides = array<i32>} : memref<200x128xf32, #tpu.memory_space<vmem>>, vector<1x16xf32>,
      %parallel_loop3A_168 = vector.shape_cast %parallel_loop3A_167 : vector<1x16xf32> to vector<16xf32>
      %parallel_loop3A_169 = arith.index_cast %parallel_loop3A_119 : i32 to index
      %parallel_loop3A_170 = arith.constant 80 : index
      %parallel_loop3A_171 = tpu.vector_load %arg8[%parallel_loop3A_169, %parallel_loop3A_170] {strides = array<i32>} : memref<200x128xf32, #tpu.memory_space<vmem>>, vector<1x16xf32>,
      %parallel_loop3A_172 = vector.shape_cast %parallel_loop3A_171 : vector<1x16xf32> to vector<16xf32>
      %parallel_loop3A_173 = vector.shape_cast %parallel_loop3A_168 : vector<16xf32> to vector<1x16xf32>
      tpu.vector_store %arg8[%parallel_loop3A_169, %parallel_loop3A_170], %parallel_loop3A_173 {add = true, strides = array<i32>} : memref<200x128xf32, #tpu.memory_space<vmem>>, vector<1x16xf32>,
      %parallel_loop3A_174 = arith.index_cast %parallel_loop3A_119 : i32 to index
      %parallel_loop3A_175 = arith.constant 96 : index
      %parallel_loop3A_176 = tpu.vector_load %arg6[%parallel_loop3A_174, %parallel_loop3A_175] {strides = array<i32>} : memref<200x128xf32, #tpu.memory_space<vmem>>, vector<1x16xf32>,
      %parallel_loop3A_177 = vector.shape_cast %parallel_loop3A_176 : vector<1x16xf32> to vector<16xf32>
      %parallel_loop3A_178 = arith.index_cast %parallel_loop3A_119 : i32 to index
      %parallel_loop3A_179 = arith.constant 96 : index
      %parallel_loop3A_180 = tpu.vector_load %arg8[%parallel_loop3A_178, %parallel_loop3A_179] {strides = array<i32>} : memref<200x128xf32, #tpu.memory_space<vmem>>, vector<1x16xf32>,
      %parallel_loop3A_181 = vector.shape_cast %parallel_loop3A_180 : vector<1x16xf32> to vector<16xf32>
      %parallel_loop3A_182 = vector.shape_cast %parallel_loop3A_177 : vector<16xf32> to vector<1x16xf32>
      tpu.vector_store %arg8[%parallel_loop3A_178, %parallel_loop3A_179], %parallel_loop3A_182 {add = true, strides = array<i32>} : memref<200x128xf32, #tpu.memory_space<vmem>>, vector<1x16xf32>,
      %parallel_loop3A_183 = arith.index_cast %parallel_loop3A_119 : i32 to index
      %parallel_loop3A_184 = arith.constant 112 : index
      %parallel_loop3A_185 = tpu.vector_load %arg6[%parallel_loop3A_183, %parallel_loop3A_184] {strides = array<i32>} : memref<200x128xf32, #tpu.memory_space<vmem>>, vector<1x16xf32>,
      %parallel_loop3A_186 = vector.shape_cast %parallel_loop3A_185 : vector<1x16xf32> to vector<16xf32>
      %parallel_loop3A_187 = arith.index_cast %parallel_loop3A_119 : i32 to index
      %parallel_loop3A_188 = arith.constant 112 : index
      %parallel_loop3A_189 = tpu.vector_load %arg8[%parallel_loop3A_187, %parallel_loop3A_188] {strides = array<i32>} : memref<200x128xf32, #tpu.memory_space<vmem>>, vector<1x16xf32>,
      %parallel_loop3A_190 = vector.shape_cast %parallel_loop3A_189 : vector<1x16xf32> to vector<16xf32>
      %parallel_loop3A_191 = vector.shape_cast %parallel_loop3A_186 : vector<16xf32> to vector<1x16xf32>
      tpu.vector_store %arg8[%parallel_loop3A_187, %parallel_loop3A_188], %parallel_loop3A_191 {add = true, strides = array<i32>} : memref<200x128xf32, #tpu.memory_space<vmem>>, vector<1x16xf32>,
    } {sc.loop_unroll_factor = 8 : i64, sc.parallel_access}
    %add3A_80 = arith.constant 6000 : i32
    %add3A_81 = arith.addi %mul3A_4, %add3A_80 : i32
    %dma_start3A_82 = arith.constant 0 : i32
    %dma_start3A_83 = tpu.memref_slice %arg5[%add3A_81, %dma_start3A_82] : memref<204800x128xf32, #tpu.memory_space<hbm>> -> memref<200x128xf32, #tpu.memory_space<hbm>>
    %dma_start3A_84 = arith.constant 0 : i32
    %dma_start3A_85 = tpu.memref_slice %arg5[%add3A_81, %dma_start3A_84] : memref<204800x128xf32, #tpu.memory_space<hbm>> -> memref<200x128xf32, #tpu.memory_space<hbm>>
    tpu.enqueue_dma source(%arg8 : memref<200x128xf32, #tpu.memory_space<vmem>>) target(%dma_start3A_85 : memref<200x128xf32, #tpu.memory_space<hbm>>) target_semaphore(%arg14 : memref<!tpu.dma_semaphore, #tpu.memory_space<semaphore_mem>>)
    %dma_wait3A_86 = arith.constant 0 : i32
    %dma_wait3A_87 = arith.constant 0 : i32
    %dma_wait3A_88 = tpu.memref_slice %arg5[%dma_wait3A_86, %dma_wait3A_87] : memref<204800x128xf32, #tpu.memory_space<hbm>> -> memref<200x128xf32, #tpu.memory_space<hbm>>
    %dma_wait3A_89 = arith.constant 0 : i32
    %dma_wait3A_90 = arith.constant 0 : i32
    %dma_wait3A_91 = tpu.memref_slice %arg5[%dma_wait3A_89, %dma_wait3A_90] : memref<204800x128xf32, #tpu.memory_space<hbm>> -> memref<200x128xf32, #tpu.memory_space<hbm>>
    tpu.wait_dma2 semaphore(%arg12 : memref<!tpu.dma_semaphore, #tpu.memory_space<semaphore_mem>>) src(%dma_wait3A_91 : memref<200x128xf32, #tpu.memory_space<hbm>>) dst(%arg9 : memref<200x128xf32, #tpu.memory_space<vmem>>)
    %parallel_loop3A_92 = arith.constant 0 : i32
    %parallel_loop3A_93 = arith.constant 200 : i32
    %parallel_loop3A_94 = arith.constant 1 : i32
    scf.for %parallel_loop3A_119 = %parallel_loop3A_92 to %parallel_loop3A_93 step %parallel_loop3A_94  : i32 {
      %parallel_loop3A_120 = arith.index_cast %parallel_loop3A_119 : i32 to index
      %parallel_loop3A_121 = arith.constant 0 : index
      %parallel_loop3A_122 = tpu.vector_load %arg6[%parallel_loop3A_120, %parallel_loop3A_121] {strides = array<i32>} : memref<200x128xf32, #tpu.memory_space<vmem>>, vector<1x16xf32>,
      %parallel_loop3A_123 = vector.shape_cast %parallel_loop3A_122 : vector<1x16xf32> to vector<16xf32>
      %parallel_loop3A_124 = arith.index_cast %parallel_loop3A_119 : i32 to index
      %parallel_loop3A_125 = arith.constant 0 : index
      %parallel_loop3A_126 = tpu.vector_load %arg9[%parallel_loop3A_124, %parallel_loop3A_125] {strides = array<i32>} : memref<200x128xf32, #tpu.memory_space<vmem>>, vector<1x16xf32>,
      %parallel_loop3A_127 = vector.shape_cast %parallel_loop3A_126 : vector<1x16xf32> to vector<16xf32>
      %parallel_loop3A_128 = vector.shape_cast %parallel_loop3A_123 : vector<16xf32> to vector<1x16xf32>
      tpu.vector_store %arg9[%parallel_loop3A_124, %parallel_loop3A_125], %parallel_loop3A_128 {add = true, strides = array<i32>} : memref<200x128xf32, #tpu.memory_space<vmem>>, vector<1x16xf32>,
      %parallel_loop3A_129 = arith.index_cast %parallel_loop3A_119 : i32 to index
      %parallel_loop3A_130 = arith.constant 16 : index
      %parallel_loop3A_131 = tpu.vector_load %arg6[%parallel_loop3A_129, %parallel_loop3A_130] {strides = array<i32>} : memref<200x128xf32, #tpu.memory_space<vmem>>, vector<1x16xf32>,
      %parallel_loop3A_132 = vector.shape_cast %parallel_loop3A_131 : vector<1x16xf32> to vector<16xf32>
      %parallel_loop3A_133 = arith.index_cast %parallel_loop3A_119 : i32 to index
      %parallel_loop3A_134 = arith.constant 16 : index
      %parallel_loop3A_135 = tpu.vector_load %arg9[%parallel_loop3A_133, %parallel_loop3A_134] {strides = array<i32>} : memref<200x128xf32, #tpu.memory_space<vmem>>, vector<1x16xf32>,
      %parallel_loop3A_136 = vector.shape_cast %parallel_loop3A_135 : vector<1x16xf32> to vector<16xf32>
      %parallel_loop3A_137 = vector.shape_cast %parallel_loop3A_132 : vector<16xf32> to vector<1x16xf32>
      tpu.vector_store %arg9[%parallel_loop3A_133, %parallel_loop3A_134], %parallel_loop3A_137 {add = true, strides = array<i32>} : memref<200x128xf32, #tpu.memory_space<vmem>>, vector<1x16xf32>,
      %parallel_loop3A_138 = arith.index_cast %parallel_loop3A_119 : i32 to index
      %parallel_loop3A_139 = arith.constant 32 : index
      %parallel_loop3A_140 = tpu.vector_load %arg6[%parallel_loop3A_138, %parallel_loop3A_139] {strides = array<i32>} : memref<200x128xf32, #tpu.memory_space<vmem>>, vector<1x16xf32>,
      %parallel_loop3A_141 = vector.shape_cast %parallel_loop3A_140 : vector<1x16xf32> to vector<16xf32>
      %parallel_loop3A_142 = arith.index_cast %parallel_loop3A_119 : i32 to index
      %parallel_loop3A_143 = arith.constant 32 : index
      %parallel_loop3A_144 = tpu.vector_load %arg9[%parallel_loop3A_142, %parallel_loop3A_143] {strides = array<i32>} : memref<200x128xf32, #tpu.memory_space<vmem>>, vector<1x16xf32>,
      %parallel_loop3A_145 = vector.shape_cast %parallel_loop3A_144 : vector<1x16xf32> to vector<16xf32>
      %parallel_loop3A_146 = vector.shape_cast %parallel_loop3A_141 : vector<16xf32> to vector<1x16xf32>
      tpu.vector_store %arg9[%parallel_loop3A_142, %parallel_loop3A_143], %parallel_loop3A_146 {add = true, strides = array<i32>} : memref<200x128xf32, #tpu.memory_space<vmem>>, vector<1x16xf32>,
      %parallel_loop3A_147 = arith.index_cast %parallel_loop3A_119 : i32 to index
      %parallel_loop3A_148 = arith.constant 48 : index
      %parallel_loop3A_149 = tpu.vector_load %arg6[%parallel_loop3A_147, %parallel_loop3A_148] {strides = array<i32>} : memref<200x128xf32, #tpu.memory_space<vmem>>, vector<1x16xf32>,
      %parallel_loop3A_150 = vector.shape_cast %parallel_loop3A_149 : vector<1x16xf32> to vector<16xf32>
      %parallel_loop3A_151 = arith.index_cast %parallel_loop3A_119 : i32 to index
      %parallel_loop3A_152 = arith.constant 48 : index
      %parallel_loop3A_153 = tpu.vector_load %arg9[%parallel_loop3A_151, %parallel_loop3A_152] {strides = array<i32>} : memref<200x128xf32, #tpu.memory_space<vmem>>, vector<1x16xf32>,
      %parallel_loop3A_154 = vector.shape_cast %parallel_loop3A_153 : vector<1x16xf32> to vector<16xf32>
      %parallel_loop3A_155 = vector.shape_cast %parallel_loop3A_150 : vector<16xf32> to vector<1x16xf32>
      tpu.vector_store %arg9[%parallel_loop3A_151, %parallel_loop3A_152], %parallel_loop3A_155 {add = true, strides = array<i32>} : memref<200x128xf32, #tpu.memory_space<vmem>>, vector<1x16xf32>,
      %parallel_loop3A_156 = arith.index_cast %parallel_loop3A_119 : i32 to index
      %parallel_loop3A_157 = arith.constant 64 : index
      %parallel_loop3A_158 = tpu.vector_load %arg6[%parallel_loop3A_156, %parallel_loop3A_157] {strides = array<i32>} : memref<200x128xf32, #tpu.memory_space<vmem>>, vector<1x16xf32>,
      %parallel_loop3A_159 = vector.shape_cast %parallel_loop3A_158 : vector<1x16xf32> to vector<16xf32>
      %parallel_loop3A_160 = arith.index_cast %parallel_loop3A_119 : i32 to index
      %parallel_loop3A_161 = arith.constant 64 : index
      %parallel_loop3A_162 = tpu.vector_load %arg9[%parallel_loop3A_160, %parallel_loop3A_161] {strides = array<i32>} : memref<200x128xf32, #tpu.memory_space<vmem>>, vector<1x16xf32>,
      %parallel_loop3A_163 = vector.shape_cast %parallel_loop3A_162 : vector<1x16xf32> to vector<16xf32>
      %parallel_loop3A_164 = vector.shape_cast %parallel_loop3A_159 : vector<16xf32> to vector<1x16xf32>
      tpu.vector_store %arg9[%parallel_loop3A_160, %parallel_loop3A_161], %parallel_loop3A_164 {add = true, strides = array<i32>} : memref<200x128xf32, #tpu.memory_space<vmem>>, vector<1x16xf32>,
      %parallel_loop3A_165 = arith.index_cast %parallel_loop3A_119 : i32 to index
      %parallel_loop3A_166 = arith.constant 80 : index
      %parallel_loop3A_167 = tpu.vector_load %arg6[%parallel_loop3A_165, %parallel_loop3A_166] {strides = array<i32>} : memref<200x128xf32, #tpu.memory_space<vmem>>, vector<1x16xf32>,
      %parallel_loop3A_168 = vector.shape_cast %parallel_loop3A_167 : vector<1x16xf32> to vector<16xf32>
      %parallel_loop3A_169 = arith.index_cast %parallel_loop3A_119 : i32 to index
      %parallel_loop3A_170 = arith.constant 80 : index
      %parallel_loop3A_171 = tpu.vector_load %arg9[%parallel_loop3A_169, %parallel_loop3A_170] {strides = array<i32>} : memref<200x128xf32, #tpu.memory_space<vmem>>, vector<1x16xf32>,
      %parallel_loop3A_172 = vector.shape_cast %parallel_loop3A_171 : vector<1x16xf32> to vector<16xf32>
      %parallel_loop3A_173 = vector.shape_cast %parallel_loop3A_168 : vector<16xf32> to vector<1x16xf32>
      tpu.vector_store %arg9[%parallel_loop3A_169, %parallel_loop3A_170], %parallel_loop3A_173 {add = true, strides = array<i32>} : memref<200x128xf32, #tpu.memory_space<vmem>>, vector<1x16xf32>,
      %parallel_loop3A_174 = arith.index_cast %parallel_loop3A_119 : i32 to index
      %parallel_loop3A_175 = arith.constant 96 : index
      %parallel_loop3A_176 = tpu.vector_load %arg6[%parallel_loop3A_174, %parallel_loop3A_175] {strides = array<i32>} : memref<200x128xf32, #tpu.memory_space<vmem>>, vector<1x16xf32>,
      %parallel_loop3A_177 = vector.shape_cast %parallel_loop3A_176 : vector<1x16xf32> to vector<16xf32>
      %parallel_loop3A_178 = arith.index_cast %parallel_loop3A_119 : i32 to index
      %parallel_loop3A_179 = arith.constant 96 : index
      %parallel_loop3A_180 = tpu.vector_load %arg9[%parallel_loop3A_178, %parallel_loop3A_179] {strides = array<i32>} : memref<200x128xf32, #tpu.memory_space<vmem>>, vector<1x16xf32>,
      %parallel_loop3A_181 = vector.shape_cast %parallel_loop3A_180 : vector<1x16xf32> to vector<16xf32>
      %parallel_loop3A_182 = vector.shape_cast %parallel_loop3A_177 : vector<16xf32> to vector<1x16xf32>
      tpu.vector_store %arg9[%parallel_loop3A_178, %parallel_loop3A_179], %parallel_loop3A_182 {add = true, strides = array<i32>} : memref<200x128xf32, #tpu.memory_space<vmem>>, vector<1x16xf32>,
      %parallel_loop3A_183 = arith.index_cast %parallel_loop3A_119 : i32 to index
      %parallel_loop3A_184 = arith.constant 112 : index
      %parallel_loop3A_185 = tpu.vector_load %arg6[%parallel_loop3A_183, %parallel_loop3A_184] {strides = array<i32>} : memref<200x128xf32, #tpu.memory_space<vmem>>, vector<1x16xf32>,
      %parallel_loop3A_186 = vector.shape_cast %parallel_loop3A_185 : vector<1x16xf32> to vector<16xf32>
      %parallel_loop3A_187 = arith.index_cast %parallel_loop3A_119 : i32 to index
      %parallel_loop3A_188 = arith.constant 112 : index
      %parallel_loop3A_189 = tpu.vector_load %arg9[%parallel_loop3A_187, %parallel_loop3A_188] {strides = array<i32>} : memref<200x128xf32, #tpu.memory_space<vmem>>, vector<1x16xf32>,
      %parallel_loop3A_190 = vector.shape_cast %parallel_loop3A_189 : vector<1x16xf32> to vector<16xf32>
      %parallel_loop3A_191 = vector.shape_cast %parallel_loop3A_186 : vector<16xf32> to vector<1x16xf32>
      tpu.vector_store %arg9[%parallel_loop3A_187, %parallel_loop3A_188], %parallel_loop3A_191 {add = true, strides = array<i32>} : memref<200x128xf32, #tpu.memory_space<vmem>>, vector<1x16xf32>,
    } {sc.loop_unroll_factor = 8 : i64, sc.parallel_access}
    %add3A_95 = arith.constant 6200 : i32
    %add3A_96 = arith.addi %mul3A_4, %add3A_95 : i32
    %dma_start3A_97 = arith.constant 0 : i32
    %dma_start3A_98 = tpu.memref_slice %arg5[%add3A_96, %dma_start3A_97] : memref<204800x128xf32, #tpu.memory_space<hbm>> -> memref<200x128xf32, #tpu.memory_space<hbm>>
    %dma_start3A_99 = arith.constant 0 : i32
    %dma_start3A_100 = tpu.memref_slice %arg5[%add3A_96, %dma_start3A_99] : memref<204800x128xf32, #tpu.memory_space<hbm>> -> memref<200x128xf32, #tpu.memory_space<hbm>>
    tpu.enqueue_dma source(%arg9 : memref<200x128xf32, #tpu.memory_space<vmem>>) target(%dma_start3A_100 : memref<200x128xf32, #tpu.memory_space<hbm>>) target_semaphore(%arg15 : memref<!tpu.dma_semaphore, #tpu.memory_space<semaphore_mem>>)
    %dma_wait3A_101 = arith.constant 0 : i32
    %dma_wait3A_102 = arith.constant 0 : i32
    %dma_wait3A_103 = tpu.memref_slice %arg5[%dma_wait3A_101, %dma_wait3A_102] : memref<204800x128xf32, #tpu.memory_space<hbm>> -> memref<200x128xf32, #tpu.memory_space<hbm>>
    %dma_wait3A_104 = arith.constant 0 : i32
    %dma_wait3A_105 = arith.constant 0 : i32
    %dma_wait3A_106 = tpu.memref_slice %arg5[%dma_wait3A_104, %dma_wait3A_105] : memref<204800x128xf32, #tpu.memory_space<hbm>> -> memref<200x128xf32, #tpu.memory_space<hbm>>
    tpu.wait_dma2 semaphore(%arg16 : memref<!tpu.dma_semaphore, #tpu.memory_space<semaphore_mem>>) src(%dma_wait3A_106 : memref<200x128xf32, #tpu.memory_space<hbm>>) dst(%arg10 : memref<200x128xf32, #tpu.memory_space<vmem>>)
    %dma_wait3A_107 = arith.constant 0 : i32
    %dma_wait3A_108 = arith.constant 0 : i32
    %dma_wait3A_109 = tpu.memref_slice %arg5[%dma_wait3A_107, %dma_wait3A_108] : memref<204800x128xf32, #tpu.memory_space<hbm>> -> memref<200x128xf32, #tpu.memory_space<hbm>>
    %dma_wait3A_110 = arith.constant 0 : i32
    %dma_wait3A_111 = arith.constant 0 : i32
    %dma_wait3A_112 = tpu.memref_slice %arg5[%dma_wait3A_110, %dma_wait3A_111] : memref<204800x128xf32, #tpu.memory_space<hbm>> -> memref<200x128xf32, #tpu.memory_space<hbm>>
    tpu.wait_dma2 semaphore(%arg14 : memref<!tpu.dma_semaphore, #tpu.memory_space<semaphore_mem>>) src(%dma_wait3A_112 : memref<200x128xf32, #tpu.memory_space<hbm>>) dst(%arg8 : memref<200x128xf32, #tpu.memory_space<vmem>>)
    %dma_wait3A_113 = arith.constant 0 : i32
    %dma_wait3A_114 = arith.constant 0 : i32
    %dma_wait3A_115 = tpu.memref_slice %arg5[%dma_wait3A_113, %dma_wait3A_114] : memref<204800x128xf32, #tpu.memory_space<hbm>> -> memref<200x128xf32, #tpu.memory_space<hbm>>
    %dma_wait3A_116 = arith.constant 0 : i32
    %dma_wait3A_117 = arith.constant 0 : i32
    %dma_wait3A_118 = tpu.memref_slice %arg5[%dma_wait3A_116, %dma_wait3A_117] : memref<204800x128xf32, #tpu.memory_space<hbm>> -> memref<200x128xf32, #tpu.memory_space<hbm>>
    tpu.wait_dma2 semaphore(%arg15 : memref<!tpu.dma_semaphore, #tpu.memory_space<semaphore_mem>>) src(%dma_wait3A_118 : memref<200x128xf32, #tpu.memory_space<hbm>>) dst(%arg9 : memref<200x128xf32, #tpu.memory_space<vmem>>)
    return
  }
}

</mosaic_0001>

<sc_bundles>
// kernel: kernel.3.cloned.1.call-start
scs
__scs_entry_jumppad:
0x0: {  	(pc) =	sbr.rel $0x88, $3  }
0x1: {  	(tag) =	ssettag $0x0;
	lr =	simm.s32 $0x1  }
0x2: {  	[smem:$0x3F9E] =	sst lr;
	_ =	strace $0xD0000000  }
0x3: {  	_ = 	snop  }
0x4: {  	_ = 	snop  }
0x5: {  	_ = 	snop  }
0x6: {  	_ = 	snop  }
0x7: {  	_ = 	snop  }
__scs_overlays_trampoline_lowered:
0x8: {  	[smem:$0x3FAD] =	sst s0  }
0x9: {  	[smem:$0x3FAE] =	sst s1  }
0xa: {  	[smem:$0x3FAF] =	sst s2  }
0xb: {  	[smem:$0x3FB0] =	sst s3  }
0xc: {  	[smem:$0x3FB1] =	sst s4  }
0xd: {  	[smem:$0x3FB2] =	sst s5  }
0xe: {  	[smem:$0x3FB3] =	sst s6  }
0xf: {  	[smem:$0x3FB4] =	sst s7  }
0x10: {  	[smem:$0x3FB5] =	sst s8  }
0x11: {  	[smem:$0x3FB6] =	sst s9;
	s0 =	simm.s32 @!p0 $0x0  }
0x12: {  	s1 =	sld [smem:$0x3F9C];
	s0 =	simm.s32 @p0 $0x1  }
0x13: {  	[smem:$0x3FB7] =	sst s0;
	s0 =	simm.s32 @!p1 $0x0  }
0x14: {  	s2 =	sld [smem:$0x3F9B];
	s0 =	simm.s32 @p1 $0x1  }
0x15: {  	[smem:$0x3FB8] =	sst s0;
	s0 =	simm.s32 @!p2 $0x0  }
0x16: {  	s3 =	sld [smem:$0x3FDB];
	s0 =	simm.s32 @p2 $0x1  }
0x17: {  	s4 =	simm.s32 $0x1BF5;
	[smem:$0x3FBA] =	sst s0  }
0x18: {  	s0 =	sld [smem:$0x3F9D];
	_ =	swait.ge [sflag:s4], $0x0  }
0x19: {  	s7 =	sld [smem:$0x3F9E]  }
0x1a: {  	s8 =	sadd.s32 $0xFFFFE003, lr  }
0x1b: {  	s9 =	sadd.s32 $0xFFFFFEF7, lr;
	s5 =	simm.s32 $0xFFFFFFFF;
	p2 =	slt.u32 s8, $0xFFFFF086  }
0x1c: {  	p1 =	slt.u32 s9, $0xF7A;
	s5 =	simm.s32 @!p2 $0x0  }
0x1d: {  	s5 =	simm.s32 @p1 $0x1;
	p0 =	seq.s32 s7, s2  }
0x1e: {  	s7 =	smul.u32 @!p0 $0xF7A, s2;
	p2 =	seq.s32 @!p0 s5, $0x0  }
0x1f: {  	s9 =	smul.u32 $0xF7A, s1;
	s8 =	simm.s32 @!p0 $0x1BF5;
	p2 =	por !p2, p0  }
0x20: {  	[sflag:s8] =	ssyncset.s32 @!p0 $0xFFFFF086;
	s6 =	sadd.s32 @!p0 s3, s7;
	s7 =	simm.s32 @!p0 $0x108  }
0x21: {  	s3 =	sadd.s32 s3, s9;
	s6 =	sadd.s32 @!p0 $0x88, s6;
	s7 =	simm.s32 @p2 $0x1082  }
0x22: {  	[simem:s7], [sflag:s8] =	dma.local @!p0 [hbm:s6], $0xF7A  }
0x23: {  	s9 =	sor.u32 $0xD0000000, s2;
	s6 =	simm.s32 $0x108;
	_ =	swait.ge @!p0 [sflag:s8], $0x0  }
0x24: {  	s3 =	sadd.s32 $0x88, s3;
	s6 =	simm.s32 @!p1 $0x1082;
	[sflag:s4] =	ssyncset.s32 $0xFFFFF086  }
0x25: {  	[simem:s6], [sflag:s4] =	dma.local [hbm:s3], $0xF7A  }
0x26: {  	[smem:$0x3F9E] =	sst s1;
	(tag) =	ssettag s2;
	_ =	strace s9  }
0x27: {  	s1 =	sld [smem:$0x3FAE]  }
0x28: {  	s2 =	sld [smem:$0x3FAF]  }
0x29: {  	s4 =	sld [smem:$0x3FB1]  }
0x2a: {  	p0 =	seq.s32 s5, $0x0;
	s5 =	sld [smem:$0x3FB2]  }
0x2b: {  	s6 =	sld [smem:$0x3FB3]  }
0x2c: {  	s7 =	sld [smem:$0x3FB4]  }
0x2d: {  	s3 =	simm.s32 $0x108;
	s8 =	sld [smem:$0x3FB5]  }
0x2e: {  	s3 =	simm.s32 @!p0 $0x1082;
	s9 =	sld [smem:$0x3FB6]  }
0x2f: {  	lr =	sadd.s32 s0, s3;
	s0 =	sld [smem:$0x3FAD]  }
0x30: {  	s3 =	sld [smem:$0x3FB0]  }
0x31: {  	[smem:$0x3FB9] =	sst s10  }
0x32: {  	s10 =	sld [smem:$0x3FB7];
	_ =	sdelay $0x3  }
0x33: {  	p0 =	seq.s32 s10, $0x1;
	s10 =	sld [smem:$0x3FB9];
	_ =	sdelay $0x3  }
0x34: {  	[smem:$0x3FB9] =	sst s10  }
0x35: {  	s10 =	sld [smem:$0x3FB8];
	_ =	sdelay $0x3  }
0x36: {  	p1 =	seq.s32 s10, $0x1;
	s10 =	sld [smem:$0x3FB9];
	_ =	sdelay $0x3  }
0x37: {  	[smem:$0x3FB9] =	sst s10  }
0x38: {  	s10 =	sld [smem:$0x3FBA]  }
0x39: {  	_ = 	snop;
	(pc) =	sbr.ind lr, $3  }
0x3a: {  	_ = 	snop  }
0x3b: {  	_ = 	snop  }
0x3c: {  	p2 =	seq.s32 s10, $0x1;
	s10 =	sld [smem:$0x3FB9]  }
0x3d: {  	_ =	shalt  }
0x3e: {  	_ =	shalt  }
0x3f: {  	_ =	shalt  }
0x40: {  	_ =	shalt  }
0x41: {  	_ =	shalt  }
0x42: {  	_ =	shalt  }
0x43: {  	_ =	shalt  }
0x44: {  	_ =	shalt  }
0x45: {  	_ =	shalt  }
0x46: {  	_ =	shalt  }
0x47: {  	_ =	shalt  }
0x48: {  	_ =	shalt  }
0x49: {  	_ =	shalt  }
0x4a: {  	_ =	shalt  }
0x4b: {  	_ =	shalt  }
0x4c: {  	_ =	shalt  }
0x4d: {  	_ =	shalt  }
0x4e: {  	_ =	shalt  }
0x4f: {  	_ =	shalt  }
0x50: {  	_ =	shalt  }
0x51: {  	_ =	shalt  }
0x52: {  	_ =	shalt  }
0x53: {  	_ =	shalt  }
0x54: {  	_ =	shalt  }
0x55: {  	_ =	shalt  }
0x56: {  	_ =	shalt  }
0x57: {  	_ =	shalt  }
0x58: {  	_ =	shalt  }
0x59: {  	_ =	shalt  }
0x5a: {  	_ =	shalt  }
0x5b: {  	_ =	shalt  }
0x5c: {  	_ =	shalt  }
0x5d: {  	_ =	shalt  }
0x5e: {  	_ =	shalt  }
0x5f: {  	_ =	shalt  }
0x60: {  	_ =	shalt  }
0x61: {  	_ =	shalt  }
0x62: {  	_ =	shalt  }
0x63: {  	_ =	shalt  }
0x64: {  	_ =	shalt  }
0x65: {  	_ =	shalt  }
0x66: {  	_ =	shalt  }
0x67: {  	_ =	shalt  }
0x68: {  	_ =	shalt  }
0x69: {  	_ =	shalt  }
0x6a: {  	_ =	shalt  }
0x6b: {  	_ =	shalt  }
0x6c: {  	_ =	shalt  }
0x6d: {  	_ =	shalt  }
0x6e: {  	_ =	shalt  }
0x6f: {  	_ =	shalt  }
0x70: {  	_ =	shalt  }
0x71: {  	_ =	shalt  }
0x72: {  	_ =	shalt  }
0x73: {  	_ =	shalt  }
0x74: {  	_ =	shalt  }
0x75: {  	_ =	shalt  }
0x76: {  	_ =	shalt  }
0x77: {  	_ =	shalt  }
0x78: {  	_ =	shalt  }
0x79: {  	_ =	shalt  }
0x7a: {  	_ =	shalt  }
0x7b: {  	_ =	shalt  }
0x7c: {  	_ =	shalt  }
0x7d: {  	_ =	shalt  }
0x7e: {  	_ =	shalt  }
0x7f: {  	_ =	shalt  }
0x80: {  	_ =	shalt  }
0x81: {  	_ =	shalt  }
0x82: {  	_ =	shalt  }
0x83: {  	_ =	shalt  }
0x84: {  	_ =	shalt  }
0x85: {  	_ =	shalt  }
0x86: {  	_ =	shalt  }
0x87: {  	_ =	shalt  }
.Lfunc_end0:
.L_simem_size_0:
called_computation_lowered:
.L_overlay_start_0:
0x88: {  	s2 =	sld [smem:$0x3FD9]  }
0x89: {  	s3 =	sld [smem:$0x3FFE];
	_ =	sdelay $0x1  }
0x8a: {  	s1 =	srdreg.scid  }
0x8b: {  	s0 =	sand.u32 $0x1, s1  }
0x8c: {  	s17 =	sshll.u32 s0, $0xA;
	s2 =	sadd.s32 s3, s2  }
0x8d: {  	s2 =	sadd.s32 s2, s17  }
0x8e: {  	[smem:$0x3FC5] =	sst s2  }
0x8f: {  	_ = 	snop  }
0x90: {  	s2 =	sld [smem:$0x3FC8]  }
0x91: {  	s18 =	sld [smem:$0x3FC7]  }
0x92: {  	s4 =	sld [smem:$0x3FD0];
	(tm) =	ssettm $0x1  }
0x93: {  	s5 =	sld [smem:$0x3FFB];
	_ =	sdelay $0x3  }
0x94: {  	_ =	strace s5  }
0x95: {  	s5 =	sld [smem:$0x3FFC];
	_ =	sdelay $0x3  }
0x96: {  	_ =	strace s5  }
0x97: {  	s5 =	sld [smem:$0x3FFD];
	_ =	sdelay $0x3  }
0x98: {  	_ =	strace s5  }
0x99: {  	_ =	strace $0x8FFFFFFF  }
0x9a: {  	s19 =	sld [smem:$0x3FDB];
	_ =	sdelay $0x1  }
0x9b: {  	s6 =	simm.s32 $_scs_section_size  }
0x9c: {  	s7 =	simm.s32 $_size__tile_overlayer_lowered;
	s8 =	simm.s32 $_tile_overlayer_lowered  }
0x9d: {  	s22 =	simm.s32 $0x1BFF;
	s21 =	sshll.u32 s8, $0x1;
	s5 =	sadd.s32 s6, s19  }
0x9e: {  	s9 =	simm.s32 $0x0;
	s20 =	sshll.u32 s7, $0x1;
	s7 =	sadd.s32 s21, s5  }
0x9f: {  	[timem:s9], [sflag:s22] =	dma.local [hbm:s7], s20  }
0xa0: {  	_ =	swait.ge [sflag:s22], s20  }
0xa1: {  	s6 =	ssub.s32 $0x0, s20;
	[sflag:s22] =	ssyncset.done $0x0  }
0xa2: {  	[sflag:s22] =	ssyncadd.s32 s6;
	_ =	sdelay $0x1  }
0xa3: {  	s23 =	simm.s32 $0x1B8B  }
0xa4: {  	_ =	swait.ge [sflag:s23], $0x1  }
0xa5: {  	[sflag:s23] =	ssyncset.done $0x0  }
0xa6: {  	s25 =	simm.s32 $0x1B8E;
	s24 =	sld [smem:$0x3FFE];
	[sflag:s23] =	ssyncadd.s32 $0xFFFFFFFF  }
0xa7: {  	s26 =	simm.s32 $execute0_lowered;
	[smem:$0x3FD2] =	sst s25  }
0xa8: {  	s7 =	sshll.u32 s26, $0x1;
	_ =	strace $0x80000046;
	[dreg:$0x1] =	wrdreg $0xFFFFFFFF  }
0xa9: {  	s28 =	simm.s32 $_size_execute0_lowered;
	s5 =	sadd.s32 s5, s7;
	[dreg:$0x0] =	wrdreg $0x0  }
0xaa: {  	s7 =	sshll.u32 s28, $0x1;
	[dreg:$0x2] =	wrdreg s5  }
0xab: {  	[dreg:$0x3] =	wrdreg s7  }
0xac: {  	[dreg:$0x4] =	wrdreg $0xC0  }
0xad: {  	_ =	task [dreg:s9], $0x5FFFF  }
0xae: {  	[dreg:$0x1] =	wrdreg $0xFFFFFFFF  }
0xaf: {  	[dreg:$0x0] =	wrdreg $0x60  }
0xb0: {  	[dreg:$0x2] =	wrdreg s24  }
0xb1: {  	[dreg:$0x3] =	wrdreg s2  }
0xb2: {  	[dreg:$0x4] =	wrdreg s18  }
0xb3: {  	[dreg:$0x5] =	wrdreg s4  }
0xb4: {  	[dreg:$0x6] =	wrdreg $0x9  }
0xb5: {  	_ =	task.clear_ibuf [dreg:s9], $0x7FFFF;
	_ =	strace $0x90000046  }
0xb6: {  	s29 =	simm.s32 $0x9;
	_ =	strace $0x80000048  }
0xb7: {  	_ =	swait.ge [sflag:s29], $0x1  }
0xb8: {  	[sflag:s29] =	ssyncadd.s32 $0xFFFFFFFF  }
0xb9: {  	_ =	strace $0x90000048  }
0xba: {  	_ =	sfence  }
0xbb: {  	s30 =	sld [smem:$0x0];
	_ =	sdelay $0x2  }
0xbc: {  	s31 =	sshll.u32 s1, $0xD;
	s1 =	sshrl.u32 s1, $0x2  }
0xbd: {  	s3 =	sand.u32 $0x4000, s31;
	s1 =	sadd.s32 s1, s30  }
0xbe: {  	s0 =	sor.u32 s3, s0;
	s1 =	sshll.u32 s1, $0x11  }
0xbf: {  	s0 =	sor.u32 s1, s0  }
0xc0: {  	s0 =	sadd.s32 $0x8F2B, s0  }
0xc1: {  	[sflag:s0] =	ssyncadd.remote.s32 $0x1  }
0xc2: {  	_ =	sfence.sel $0xFFFF  }
0xc3: {  	[dreg:$0x0] =	wrdreg $0xFFFFFFFF;
	(pc) =	sbr.abs _section_cstart, $3  }
0xc4: {  	[dreg:$0x1] =	wrdreg $0xFFFFFFFF  }
0xc5: {  	_ =	task.clear_ibuf [dreg:s9], $0x2FFFF;
	_ =	strace $0x9FFFFFFF  }
0xc6: {  	(tm) =	ssettm $0x7FFFFFFF  }
0xc7: {  	_ =	shalt  }
tec
execute0_lowered:
.L_overlay_start_1:
0x0: {  	(tag) =	ssettag $0x1  }
0x1: {  	s0 =	rddreg [dreg:$0x0]  }
0x2: {  	s1 =	rddreg [dreg:$0x1]  }
0x3: {  	s2 =	srdreg.scid;
	s3 =	stileid.u32  }
0x4: {  	s4 =	rddreg [dreg:$0x3];
	s5 =	simm.s32 $0x0;
	s14 =	simm.s32 $0x38  }
0x5: {  	s15 =	simm.s32 $0x7D00;
	s16 =	simm.s32 $0x30;
	s18 =	simm.s32 $0x9900  }
0x6: {  	s20 =	simm.s32 $0xB100;
	s22 =	simm.s32 $0xC900;
	s29 =	simm.s32 $0x11500  }
0x7: {  	s31 =	simm.s32 $0x12D00;
	s17 =	simm.s32 $0x16100;
	s19 =	simm.s32 $0x17900  }
0x8: {  	s21 =	simm.s32 $0x19100;
	s2 =	sand.u32 $0x1, s2;
	s3 =	sshll.u32 s3, $0x1  }
0x9: {  	s23 =	simm.s32 $0x2;
	s28 =	simm.s32 $0x3;
	s3 =	sor.u32 s2, s3  }
0xa: {  	s30 =	simm.s32 $0x5;
	s2 =	ssub.s32 $0x2, s2;
	s6 =	smul.u32 $0x1900, s3  }
0xb: {  	[smem:$0x7FF] =	sst s5;
	s3 =	smul.u32 $0xC8000, s3;
	s8 =	sshrl.u32 s2, $0x1  }
0xc: {  	_ =	strace $0x80000047;
	s2 =	ssub.s32 s2, s8;
	s7 =	sshrl.u32 s6, $0x3  }
0xd: {  	s3 =	sshrl.u32 s3, $0x3;
	s26 =	smax.u32 s2, $0x1;
	s0 =	sadd.s32 s7, s0  }
0xe: {  	s3 =	sadd.s32 s4, s3;
	[dreg:$0x8] =	wrdreg s26;
	s0 =	sadd.s32 $0x400, s0  }
0xf: {  	s8 =	sor.u32 $0xC8, s6;
	s24 =	sadd.s32 $0x17700, s3;
	[dreg:$0x5] =	wrdreg s0  }
0x10: {  	s26 =	simm.s32 $0xFD00;
	s25 =	sadd.s32 $0x18380, s3;
	[dreg:$0x6] =	wrdreg s24  }
0x11: {  	s7 =	simm.s32 $0x0;
	s3 =	simm.s32 $0x14500;
	[dreg:$0x7] =	wrdreg s25  }
0x12: {  	s24 =	simm.s32 $0xE100;
	s0 =	simm.s32 $0x1;
	s25 =	simm.s32 $0x4  }
.LBB2_1:
0x13: {  	s2 =	rddreg [dreg:$0x2]  }
0x14: {  	[tilespmem:s5], [sflag:$0x7] =	stream.linear.gather [hbm4b:s2+s5], $0x6400, $0x38;
	[tilespmem:$0x1A900] =	vst v63  }
0x15: {  	s13 =	rddreg [dreg:$0x5];
	s9 =	simm.s32 $0x6400;
	s10 =	simm.s32 $0x8  }
0x16: {  	[tilespmem:s9], [sflag:$0x8] =	stream.linear.gather [hbm4b:s13+s5], $0x1900, $0x38;
	[tilespmem:$0x1A900] =	vst v63  }
0x17: {  	_ =	swait.ge [sflag:s10], $0x1900  }
0x18: {  	[sflag:s10] =	ssyncset.done $0x0  }
0x19: {  	[sflag:s10] =	ssyncadd.s32 $0xFFFFE700  }
0x1a: {  	[tilespmem:s15], [sflag:$0x1] =	stream.indirect.gather [hbm4b:s1+s14], $0x80, s9, s14, $0xb8;
	[tilespmem:$0x1A900] =	vst v63  }
0x1b: {  	s11 =	simm.s32 $0x6438  }
0x1c: {  	[tilespmem:s18], [sflag:$0x1] =	stream.indirect.gather [hbm4b:s1+s16], $0x80, s11, s16, $0xb8;
	[tilespmem:$0x1A900] =	vst v63  }
0x1d: {  	s12 =	simm.s32 $0x6468  }
0x1e: {  	[tilespmem:s20], [sflag:$0x1] =	stream.indirect.gather [hbm4b:s1+s16], $0x80, s12, s16, $0xb8;
	[tilespmem:$0x1A900] =	vst v63  }
0x1f: {  	s13 =	simm.s32 $0x6498  }
0x20: {  	[tilespmem:s22], [sflag:$0x1] =	stream.indirect.gather [hbm4b:s1+s16], $0x80, s13, s16, $0xb8;
	[tilespmem:$0x1A900] =	vst v63  }
0x21: {  	s9 =	simm.s32 $0x64C8  }
0x22: {  	[tilespmem:s24], [sflag:$0x2] =	stream.indirect.gather [hbm4b:s1+s14], $0x80, s9, s14, $0xb8;
	[tilespmem:$0x1A900] =	vst v63  }
0x23: {  	s10 =	simm.s32 $0x6500  }
0x24: {  	[tilespmem:s26], [sflag:$0x2] =	stream.indirect.gather [hbm4b:s1+s16], $0x80, s10, s16, $0xb8;
	[tilespmem:$0x1A900] =	vst v63  }
0x25: {  	s11 =	simm.s32 $0x6530  }
0x26: {  	[tilespmem:s29], [sflag:$0x2] =	stream.indirect.gather [hbm4b:s1+s16], $0x80, s11, s16, $0xb8;
	[tilespmem:$0x1A900] =	vst v63  }
0x27: {  	s12 =	simm.s32 $0x6560;
	s13 =	simm.s32 $0x7  }
0x28: {  	[tilespmem:s31], [sflag:$0x2] =	stream.indirect.gather [hbm4b:s1+s16], $0x80, s12, s16, $0xb8;
	[tilespmem:$0x1A900] =	vst v63  }
0x29: {  	_ =	swait.ge [sflag:s13], $0x6400  }
0x2a: {  	[sflag:s13] =	ssyncset.done $0x0  }
0x2b: {  	s9 =	simm.s32 $0x0;
	[sflag:s13] =	ssyncadd.s32 $0xFFFF9C00  }
.LBB2_2:
0x2c: {  	_ =	swait.ge [sflag:s0], $0x6400  }
0x2d: {  	[sflag:s0] =	ssyncset.done $0x0  }
0x2e: {  	s11 =	simm.s32 $0x0;
	[sflag:s0] =	ssyncadd.s32 $0xFFFF9C00  }
0x2f: {  	v0 =	vld [tilespmem:s11+$0x3F0]  }
0x30: {  	v1 =	vld [tilespmem:s11+$0x0]  }
0x31: {  	v2 =	vld [tilespmem:s11+$0x10]  }
0x32: {  	v3 =	vld [tilespmem:s11+$0x20]  }
0x33: {  	v4 =	vld [tilespmem:s11+$0x30]  }
0x34: {  	v5 =	vld [tilespmem:s11+$0x40]  }
0x35: {  	v6 =	vld [tilespmem:s11+$0x50]  }
0x36: {  	v7 =	vld [tilespmem:s11+$0x60]  }
0x37: {  	v8 =	vld [tilespmem:s11+$0x70]  }
0x38: {  	v9 =	vld [tilespmem:s11+$0x80]  }
0x39: {  	v10 =	vld [tilespmem:s11+$0x90]  }
0x3a: {  	v11 =	vld [tilespmem:s11+$0xA0]  }
0x3b: {  	v12 =	vld [tilespmem:s11+$0xB0]  }
0x3c: {  	v13 =	vld [tilespmem:s11+$0xC0]  }
0x3d: {  	v14 =	vld [tilespmem:s11+$0xD0]  }
0x3e: {  	v15 =	vld [tilespmem:s11+$0xE0]  }
0x3f: {  	v16 =	vld [tilespmem:s11+$0xF0]  }
0x40: {  	v17 =	vld [tilespmem:s11+$0x100]  }
0x41: {  	v18 =	vld [tilespmem:s11+$0x110]  }
0x42: {  	v19 =	vld [tilespmem:s11+$0x120]  }
0x43: {  	v20 =	vld [tilespmem:s11+$0x130]  }
0x44: {  	v21 =	vld [tilespmem:s11+$0x140]  }
0x45: {  	v22 =	vld [tilespmem:s11+$0x150]  }
0x46: {  	v23 =	vld [tilespmem:s11+$0x160]  }
0x47: {  	v24 =	vld [tilespmem:s11+$0x170]  }
0x48: {  	v25 =	vld [tilespmem:s11+$0x180]  }
0x49: {  	v26 =	vld [tilespmem:s11+$0x190]  }
0x4a: {  	v27 =	vld [tilespmem:s11+$0x1A0]  }
0x4b: {  	v28 =	vld [tilespmem:s11+$0x1B0]  }
0x4c: {  	v29 =	vld [tilespmem:s11+$0x1C0]  }
0x4d: {  	v30 =	vld [tilespmem:s11+$0x1D0]  }
0x4e: {  	v31 =	vld [tilespmem:s11+$0x1E0]  }
0x4f: {  	v32 =	vld [tilespmem:s11+$0x1F0]  }
0x50: {  	v33 =	vld [tilespmem:s11+$0x200]  }
0x51: {  	v34 =	vld [tilespmem:s11+$0x210]  }
0x52: {  	v35 =	vld [tilespmem:s11+$0x220]  }
0x53: {  	v36 =	vld [tilespmem:s11+$0x230]  }
0x54: {  	v37 =	vld [tilespmem:s11+$0x240]  }
0x55: {  	v38 =	vld [tilespmem:s11+$0x250]  }
0x56: {  	v39 =	vld [tilespmem:s11+$0x260]  }
0x57: {  	v40 =	vld [tilespmem:s11+$0x270]  }
0x58: {  	v41 =	vld [tilespmem:s11+$0x280]  }
0x59: {  	v42 =	vld [tilespmem:s11+$0x290]  }
0x5a: {  	v43 =	vld [tilespmem:s11+$0x2A0]  }
0x5b: {  	v44 =	vld [tilespmem:s11+$0x2B0]  }
0x5c: {  	v45 =	vld [tilespmem:s11+$0x2C0]  }
0x5d: {  	v46 =	vld [tilespmem:s11+$0x2D0]  }
0x5e: {  	v47 =	vld [tilespmem:s11+$0x2E0]  }
0x5f: {  	v48 =	vld [tilespmem:s11+$0x2F0]  }
0x60: {  	v49 =	vld [tilespmem:s11+$0x300]  }
0x61: {  	v50 =	vld [tilespmem:s11+$0x310]  }
0x62: {  	v51 =	vld [tilespmem:s11+$0x320]  }
0x63: {  	v52 =	vld [tilespmem:s11+$0x330]  }
0x64: {  	v53 =	vld [tilespmem:s11+$0x340]  }
0x65: {  	v54 =	vld [tilespmem:s11+$0x350]  }
0x66: {  	v55 =	vld [tilespmem:s11+$0x360]  }
0x67: {  	v56 =	vld [tilespmem:s11+$0x370]  }
0x68: {  	v57 =	vld [tilespmem:s11+$0x380]  }
0x69: {  	v58 =	vld [tilespmem:s11+$0x390]  }
0x6a: {  	v59 =	vld [tilespmem:s11+$0x3A0]  }
0x6b: {  	v60 =	vld [tilespmem:s11+$0x3B0]  }
0x6c: {  	v61 =	vld [tilespmem:s11+$0x3C0]  }
0x6d: {  	v62 =	vld [tilespmem:s11+$0x3D0]  }
0x6e: {  	[tilespmem:s11+$0x80F0] =	vst.add.f32.msk $0xffff, v0  }
0x6f: {  	v0 =	vld [tilespmem:s11+$0x3E0]  }
0x70: {  	[tilespmem:s11+$0x7D00] =	vst.add.f32.msk $0xffff, v1  }
0x71: {  	[tilespmem:s11+$0x7D10] =	vst.add.f32.msk $0xffff, v2  }
0x72: {  	[tilespmem:s11+$0x7D20] =	vst.add.f32.msk $0xffff, v3  }
0x73: {  	[tilespmem:s11+$0x7D30] =	vst.add.f32.msk $0xffff, v4  }
0x74: {  	[tilespmem:s11+$0x7D40] =	vst.add.f32.msk $0xffff, v5  }
0x75: {  	[tilespmem:s11+$0x7D50] =	vst.add.f32.msk $0xffff, v6  }
0x76: {  	[tilespmem:s11+$0x7D60] =	vst.add.f32.msk $0xffff, v7  }
0x77: {  	[tilespmem:s11+$0x7D70] =	vst.add.f32.msk $0xffff, v8  }
0x78: {  	[tilespmem:s11+$0x7D80] =	vst.add.f32.msk $0xffff, v9  }
0x79: {  	[tilespmem:s11+$0x7D90] =	vst.add.f32.msk $0xffff, v10  }
0x7a: {  	[tilespmem:s11+$0x7DA0] =	vst.add.f32.msk $0xffff, v11  }
0x7b: {  	[tilespmem:s11+$0x7DB0] =	vst.add.f32.msk $0xffff, v12  }
0x7c: {  	[tilespmem:s11+$0x7DC0] =	vst.add.f32.msk $0xffff, v13  }
0x7d: {  	[tilespmem:s11+$0x7DD0] =	vst.add.f32.msk $0xffff, v14  }
0x7e: {  	[tilespmem:s11+$0x7DE0] =	vst.add.f32.msk $0xffff, v15  }
0x7f: {  	[tilespmem:s11+$0x7DF0] =	vst.add.f32.msk $0xffff, v16  }
0x80: {  	[tilespmem:s11+$0x7E00] =	vst.add.f32.msk $0xffff, v17  }
0x81: {  	[tilespmem:s11+$0x7E10] =	vst.add.f32.msk $0xffff, v18  }
0x82: {  	[tilespmem:s11+$0x7E20] =	vst.add.f32.msk $0xffff, v19  }
0x83: {  	[tilespmem:s11+$0x7E30] =	vst.add.f32.msk $0xffff, v20  }
0x84: {  	[tilespmem:s11+$0x7E40] =	vst.add.f32.msk $0xffff, v21  }
0x85: {  	[tilespmem:s11+$0x7E50] =	vst.add.f32.msk $0xffff, v22  }
0x86: {  	[tilespmem:s11+$0x7E60] =	vst.add.f32.msk $0xffff, v23  }
0x87: {  	[tilespmem:s11+$0x7E70] =	vst.add.f32.msk $0xffff, v24  }
0x88: {  	[tilespmem:s11+$0x7E80] =	vst.add.f32.msk $0xffff, v25  }
0x89: {  	[tilespmem:s11+$0x7E90] =	vst.add.f32.msk $0xffff, v26  }
0x8a: {  	[tilespmem:s11+$0x7EA0] =	vst.add.f32.msk $0xffff, v27  }
0x8b: {  	[tilespmem:s11+$0x7EB0] =	vst.add.f32.msk $0xffff, v28  }
0x8c: {  	[tilespmem:s11+$0x7EC0] =	vst.add.f32.msk $0xffff, v29  }
0x8d: {  	[tilespmem:s11+$0x7ED0] =	vst.add.f32.msk $0xffff, v30  }
0x8e: {  	[tilespmem:s11+$0x7EE0] =	vst.add.f32.msk $0xffff, v31  }
0x8f: {  	[tilespmem:s11+$0x7EF0] =	vst.add.f32.msk $0xffff, v32  }
0x90: {  	[tilespmem:s11+$0x7F00] =	vst.add.f32.msk $0xffff, v33  }
0x91: {  	[tilespmem:s11+$0x7F10] =	vst.add.f32.msk $0xffff, v34  }
0x92: {  	[tilespmem:s11+$0x7F20] =	vst.add.f32.msk $0xffff, v35  }
0x93: {  	[tilespmem:s11+$0x7F30] =	vst.add.f32.msk $0xffff, v36  }
0x94: {  	[tilespmem:s11+$0x7F40] =	vst.add.f32.msk $0xffff, v37  }
0x95: {  	[tilespmem:s11+$0x7F50] =	vst.add.f32.msk $0xffff, v38  }
0x96: {  	[tilespmem:s11+$0x7F60] =	vst.add.f32.msk $0xffff, v39  }
0x97: {  	[tilespmem:s11+$0x7F70] =	vst.add.f32.msk $0xffff, v40  }
0x98: {  	[tilespmem:s11+$0x7F80] =	vst.add.f32.msk $0xffff, v41  }
0x99: {  	[tilespmem:s11+$0x7F90] =	vst.add.f32.msk $0xffff, v42  }
0x9a: {  	[tilespmem:s11+$0x7FA0] =	vst.add.f32.msk $0xffff, v43  }
0x9b: {  	[tilespmem:s11+$0x7FB0] =	vst.add.f32.msk $0xffff, v44  }
0x9c: {  	[tilespmem:s11+$0x7FC0] =	vst.add.f32.msk $0xffff, v45  }
0x9d: {  	[tilespmem:s11+$0x7FD0] =	vst.add.f32.msk $0xffff, v46  }
0x9e: {  	[tilespmem:s11+$0x7FE0] =	vst.add.f32.msk $0xffff, v47  }
0x9f: {  	[tilespmem:s11+$0x7FF0] =	vst.add.f32.msk $0xffff, v48  }
0xa0: {  	[tilespmem:s11+$0x8000] =	vst.add.f32.msk $0xffff, v49  }
0xa1: {  	[tilespmem:s11+$0x8010] =	vst.add.f32.msk $0xffff, v50  }
0xa2: {  	[tilespmem:s11+$0x8020] =	vst.add.f32.msk $0xffff, v51  }
0xa3: {  	[tilespmem:s11+$0x8030] =	vst.add.f32.msk $0xffff, v52  }
0xa4: {  	[tilespmem:s11+$0x8040] =	vst.add.f32.msk $0xffff, v53  }
0xa5: {  	[tilespmem:s11+$0x8050] =	vst.add.f32.msk $0xffff, v54  }
0xa6: {  	[tilespmem:s11+$0x8060] =	vst.add.f32.msk $0xffff, v55  }
0xa7: {  	[tilespmem:s11+$0x8070] =	vst.add.f32.msk $0xffff, v56  }
0xa8: {  	[tilespmem:s11+$0x8080] =	vst.add.f32.msk $0xffff, v57  }
0xa9: {  	[tilespmem:s11+$0x8090] =	vst.add.f32.msk $0xffff, v58  }
0xaa: {  	[tilespmem:s11+$0x80A0] =	vst.add.f32.msk $0xffff, v59  }
0xab: {  	[tilespmem:s11+$0x80B0] =	vst.add.f32.msk $0xffff, v60  }
0xac: {  	[tilespmem:s11+$0x80C0] =	vst.add.f32.msk $0xffff, v61  }
0xad: {  	s10 =	simm.s32 $0x0;
	s2 =	simm.s32 $0x1000;
	[tilespmem:s11+$0x80D0] =	vst.add.f32.msk $0xffff, v62  }
.LBB2_3:
0xae: {  	s10 =	sadd.s32 $0x8, s10;
	[tilespmem:s11+$0x80E0] =	vst.add.f32.msk $0xffff, v0;
	s11 =	sshra.s32 s2, $0x2  }
0xaf: {  	v0 =	vld [tilespmem:s11+$0x3F0];
	p0 =	slt.u32 s10, $0xC0  }
0xb0: {  	v1 =	vld [tilespmem:s11+$0x0]  }
0xb1: {  	v2 =	vld [tilespmem:s11+$0x10]  }
0xb2: {  	v3 =	vld [tilespmem:s11+$0x20]  }
0xb3: {  	v4 =	vld [tilespmem:s11+$0x30]  }
0xb4: {  	[tilespmem:s11+$0x80F0] =	vst.add.f32.msk $0xffff, v0  }
0xb5: {  	v5 =	vld [tilespmem:s11+$0x40]  }
0xb6: {  	v6 =	vld [tilespmem:s11+$0x50]  }
0xb7: {  	v7 =	vld [tilespmem:s11+$0x60]  }
0xb8: {  	v8 =	vld [tilespmem:s11+$0x70]  }
0xb9: {  	v9 =	vld [tilespmem:s11+$0x80]  }
0xba: {  	v10 =	vld [tilespmem:s11+$0x90]  }
0xbb: {  	v11 =	vld [tilespmem:s11+$0xA0]  }
0xbc: {  	v12 =	vld [tilespmem:s11+$0xB0]  }
0xbd: {  	v13 =	vld [tilespmem:s11+$0xC0]  }
0xbe: {  	v14 =	vld [tilespmem:s11+$0xD0]  }
0xbf: {  	v15 =	vld [tilespmem:s11+$0xE0]  }
0xc0: {  	v16 =	vld [tilespmem:s11+$0xF0]  }
0xc1: {  	v17 =	vld [tilespmem:s11+$0x100]  }
0xc2: {  	v18 =	vld [tilespmem:s11+$0x110]  }
0xc3: {  	v19 =	vld [tilespmem:s11+$0x120]  }
0xc4: {  	v20 =	vld [tilespmem:s11+$0x130]  }
0xc5: {  	v21 =	vld [tilespmem:s11+$0x140]  }
0xc6: {  	v22 =	vld [tilespmem:s11+$0x150]  }
0xc7: {  	v23 =	vld [tilespmem:s11+$0x160]  }
0xc8: {  	v24 =	vld [tilespmem:s11+$0x170]  }
0xc9: {  	v25 =	vld [tilespmem:s11+$0x180]  }
0xca: {  	v26 =	vld [tilespmem:s11+$0x190]  }
0xcb: {  	v27 =	vld [tilespmem:s11+$0x1A0]  }
0xcc: {  	v28 =	vld [tilespmem:s11+$0x1B0]  }
0xcd: {  	v29 =	vld [tilespmem:s11+$0x1C0]  }
0xce: {  	v30 =	vld [tilespmem:s11+$0x1D0]  }
0xcf: {  	v31 =	vld [tilespmem:s11+$0x1E0]  }
0xd0: {  	v32 =	vld [tilespmem:s11+$0x1F0]  }
0xd1: {  	v33 =	vld [tilespmem:s11+$0x200]  }
0xd2: {  	v34 =	vld [tilespmem:s11+$0x210]  }
0xd3: {  	v35 =	vld [tilespmem:s11+$0x220]  }
0xd4: {  	v36 =	vld [tilespmem:s11+$0x230]  }
0xd5: {  	v37 =	vld [tilespmem:s11+$0x240]  }
0xd6: {  	v38 =	vld [tilespmem:s11+$0x250]  }
0xd7: {  	v39 =	vld [tilespmem:s11+$0x260]  }
0xd8: {  	v40 =	vld [tilespmem:s11+$0x270]  }
0xd9: {  	v41 =	vld [tilespmem:s11+$0x280]  }
0xda: {  	v42 =	vld [tilespmem:s11+$0x290]  }
0xdb: {  	v43 =	vld [tilespmem:s11+$0x2A0]  }
0xdc: {  	v44 =	vld [tilespmem:s11+$0x2B0]  }
0xdd: {  	v45 =	vld [tilespmem:s11+$0x2C0]  }
0xde: {  	v46 =	vld [tilespmem:s11+$0x2D0]  }
0xdf: {  	v47 =	vld [tilespmem:s11+$0x2E0]  }
0xe0: {  	v48 =	vld [tilespmem:s11+$0x2F0]  }
0xe1: {  	v49 =	vld [tilespmem:s11+$0x300]  }
0xe2: {  	v50 =	vld [tilespmem:s11+$0x310]  }
0xe3: {  	v51 =	vld [tilespmem:s11+$0x320]  }
0xe4: {  	v52 =	vld [tilespmem:s11+$0x330]  }
0xe5: {  	v53 =	vld [tilespmem:s11+$0x340]  }
0xe6: {  	v54 =	vld [tilespmem:s11+$0x350]  }
0xe7: {  	v55 =	vld [tilespmem:s11+$0x360]  }
0xe8: {  	v56 =	vld [tilespmem:s11+$0x370]  }
0xe9: {  	v57 =	vld [tilespmem:s11+$0x380]  }
0xea: {  	v58 =	vld [tilespmem:s11+$0x390]  }
0xeb: {  	v59 =	vld [tilespmem:s11+$0x3A0]  }
0xec: {  	v60 =	vld [tilespmem:s11+$0x3B0]  }
0xed: {  	v61 =	vld [tilespmem:s11+$0x3C0]  }
0xee: {  	v62 =	vld [tilespmem:s11+$0x3D0]  }
0xef: {  	v0 =	vld [tilespmem:s11+$0x3E0]  }
0xf0: {  	[tilespmem:s11+$0x7D00] =	vst.add.f32.msk $0xffff, v1  }
0xf1: {  	[tilespmem:s11+$0x7D10] =	vst.add.f32.msk $0xffff, v2  }
0xf2: {  	[tilespmem:s11+$0x7D20] =	vst.add.f32.msk $0xffff, v3  }
0xf3: {  	[tilespmem:s11+$0x7D30] =	vst.add.f32.msk $0xffff, v4  }
0xf4: {  	[tilespmem:s11+$0x7D40] =	vst.add.f32.msk $0xffff, v5  }
0xf5: {  	[tilespmem:s11+$0x7D50] =	vst.add.f32.msk $0xffff, v6  }
0xf6: {  	[tilespmem:s11+$0x7D60] =	vst.add.f32.msk $0xffff, v7  }
0xf7: {  	[tilespmem:s11+$0x7D70] =	vst.add.f32.msk $0xffff, v8  }
0xf8: {  	[tilespmem:s11+$0x7D80] =	vst.add.f32.msk $0xffff, v9  }
0xf9: {  	[tilespmem:s11+$0x7D90] =	vst.add.f32.msk $0xffff, v10  }
0xfa: {  	[tilespmem:s11+$0x7DA0] =	vst.add.f32.msk $0xffff, v11  }
0xfb: {  	[tilespmem:s11+$0x7DB0] =	vst.add.f32.msk $0xffff, v12  }
0xfc: {  	[tilespmem:s11+$0x7DC0] =	vst.add.f32.msk $0xffff, v13  }
0xfd: {  	[tilespmem:s11+$0x7DD0] =	vst.add.f32.msk $0xffff, v14  }
0xfe: {  	[tilespmem:s11+$0x7DE0] =	vst.add.f32.msk $0xffff, v15  }
0xff: {  	[tilespmem:s11+$0x7DF0] =	vst.add.f32.msk $0xffff, v16  }
0x100: {  	[tilespmem:s11+$0x7E00] =	vst.add.f32.msk $0xffff, v17  }
0x101: {  	[tilespmem:s11+$0x7E10] =	vst.add.f32.msk $0xffff, v18  }
0x102: {  	[tilespmem:s11+$0x7E20] =	vst.add.f32.msk $0xffff, v19  }
0x103: {  	[tilespmem:s11+$0x7E30] =	vst.add.f32.msk $0xffff, v20  }
0x104: {  	[tilespmem:s11+$0x7E40] =	vst.add.f32.msk $0xffff, v21  }
0x105: {  	[tilespmem:s11+$0x7E50] =	vst.add.f32.msk $0xffff, v22  }
0x106: {  	[tilespmem:s11+$0x7E60] =	vst.add.f32.msk $0xffff, v23  }
0x107: {  	[tilespmem:s11+$0x7E70] =	vst.add.f32.msk $0xffff, v24  }
0x108: {  	[tilespmem:s11+$0x7E80] =	vst.add.f32.msk $0xffff, v25  }
0x109: {  	[tilespmem:s11+$0x7E90] =	vst.add.f32.msk $0xffff, v26  }
0x10a: {  	[tilespmem:s11+$0x7EA0] =	vst.add.f32.msk $0xffff, v27  }
0x10b: {  	[tilespmem:s11+$0x7EB0] =	vst.add.f32.msk $0xffff, v28  }
0x10c: {  	[tilespmem:s11+$0x7EC0] =	vst.add.f32.msk $0xffff, v29  }
0x10d: {  	[tilespmem:s11+$0x7ED0] =	vst.add.f32.msk $0xffff, v30  }
0x10e: {  	[tilespmem:s11+$0x7EE0] =	vst.add.f32.msk $0xffff, v31  }
0x10f: {  	[tilespmem:s11+$0x7EF0] =	vst.add.f32.msk $0xffff, v32  }
0x110: {  	[tilespmem:s11+$0x7F00] =	vst.add.f32.msk $0xffff, v33  }
0x111: {  	[tilespmem:s11+$0x7F10] =	vst.add.f32.msk $0xffff, v34  }
0x112: {  	[tilespmem:s11+$0x7F20] =	vst.add.f32.msk $0xffff, v35  }
0x113: {  	[tilespmem:s11+$0x7F30] =	vst.add.f32.msk $0xffff, v36  }
0x114: {  	[tilespmem:s11+$0x7F40] =	vst.add.f32.msk $0xffff, v37  }
0x115: {  	[tilespmem:s11+$0x7F50] =	vst.add.f32.msk $0xffff, v38  }
0x116: {  	[tilespmem:s11+$0x7F60] =	vst.add.f32.msk $0xffff, v39  }
0x117: {  	[tilespmem:s11+$0x7F70] =	vst.add.f32.msk $0xffff, v40  }
0x118: {  	[tilespmem:s11+$0x7F80] =	vst.add.f32.msk $0xffff, v41  }
0x119: {  	[tilespmem:s11+$0x7F90] =	vst.add.f32.msk $0xffff, v42  }
0x11a: {  	[tilespmem:s11+$0x7FA0] =	vst.add.f32.msk $0xffff, v43  }
0x11b: {  	[tilespmem:s11+$0x7FB0] =	vst.add.f32.msk $0xffff, v44  }
0x11c: {  	[tilespmem:s11+$0x7FC0] =	vst.add.f32.msk $0xffff, v45  }
0x11d: {  	[tilespmem:s11+$0x7FD0] =	vst.add.f32.msk $0xffff, v46  }
0x11e: {  	[tilespmem:s11+$0x7FE0] =	vst.add.f32.msk $0xffff, v47  }
0x11f: {  	[tilespmem:s11+$0x7FF0] =	vst.add.f32.msk $0xffff, v48  }
0x120: {  	[tilespmem:s11+$0x8000] =	vst.add.f32.msk $0xffff, v49  }
0x121: {  	[tilespmem:s11+$0x8010] =	vst.add.f32.msk $0xffff, v50  }
0x122: {  	[tilespmem:s11+$0x8020] =	vst.add.f32.msk $0xffff, v51  }
0x123: {  	[tilespmem:s11+$0x8030] =	vst.add.f32.msk $0xffff, v52  }
0x124: {  	[tilespmem:s11+$0x8040] =	vst.add.f32.msk $0xffff, v53  }
0x125: {  	[tilespmem:s11+$0x8050] =	vst.add.f32.msk $0xffff, v54  }
0x126: {  	[tilespmem:s11+$0x8060] =	vst.add.f32.msk $0xffff, v55  }
0x127: {  	[tilespmem:s11+$0x8070] =	vst.add.f32.msk $0xffff, v56  }
0x128: {  	[tilespmem:s11+$0x8080] =	vst.add.f32.msk $0xffff, v57  }
.Ltmp0:
0x129: {  	[tilespmem:s11+$0x8090] =	vst.add.f32.msk $0xffff, v58;
	(pc) =	sbr.rel @p0 .LBB2_3-.Ltmp0, $4  }
0x12a: {  	[tilespmem:s11+$0x80A0] =	vst.add.f32.msk $0xffff, v59  }
0x12b: {  	[tilespmem:s11+$0x80B0] =	vst.add.f32.msk $0xffff, v60  }
0x12c: {  	[tilespmem:s11+$0x80C0] =	vst.add.f32.msk $0xffff, v61  }
0x12d: {  	s2 =	sadd.s32 $0x1000, s2;
	[tilespmem:s11+$0x80D0] =	vst.add.f32.msk $0xffff, v62  }
0x12e: {  	s10 =	smul.u32 $0x258, s9;
	_ =	sdelay $0x1  }
0x12f: {  	s2 =	sadd.s32 s6, s10  }
0x130: {  	s2 =	sshll.u32 s2, $0x4  }
0x131: {  	[tilespmem:s11+$0x80E0] =	vst.add.f32.msk $0xffff, v0;
	p0 =	seq.s32 s9, $0x0;
	s2 =	sadd.s32 s4, s2  }
0x132: {  	[hbm4b:s2+s5] =	stream.linear.scatter [tilespmem:s15], [sflag:$0x4], $0x6400, $0x38;
	[tilespmem:$0x1A900] =	vst v63  }
0x133: {  	s2 =	simm.s32 @!p0 $0x6  }
0x134: {  	_ =	swait.ge @!p0 [sflag:s2], $0x6400  }
0x135: {  	[sflag:s2] =	ssyncset.done @!p0 $0x0  }
0x136: {  	s13 =	sadd.s32 $0x6590, s10;
	[sflag:s2] =	ssyncadd.s32 @!p0 $0xFFFF9C00  }
0x137: {  	[tilespmem:s3], [sflag:$0x3] =	stream.indirect.gather [hbm4b:s1+s14], $0x80, s13, s14, $0xb8;
	[tilespmem:$0x1A900] =	vst v63  }
0x138: {  	s11 =	sadd.s32 $0x65C8, s10  }
0x139: {  	[tilespmem:s17], [sflag:$0x3] =	stream.indirect.gather [hbm4b:s1+s16], $0x80, s11, s16, $0xb8;
	[tilespmem:$0x1A900] =	vst v63  }
0x13a: {  	s12 =	sadd.s32 $0x65F8, s10  }
0x13b: {  	[tilespmem:s19], [sflag:$0x3] =	stream.indirect.gather [hbm4b:s1+s16], $0x80, s12, s16, $0xb8;
	[tilespmem:$0x1A900] =	vst v63  }
0x13c: {  	s13 =	sadd.s32 $0x6628, s10  }
0x13d: {  	[tilespmem:s21], [sflag:$0x3] =	stream.indirect.gather [hbm4b:s1+s16], $0x80, s13, s16, $0xb8;
	[tilespmem:$0x1A900] =	vst v63  }
0x13e: {  	_ =	swait.ge [sflag:s23], $0x6400  }
0x13f: {  	[sflag:s23] =	ssyncset.done $0x0  }
0x140: {  	s13 =	simm.s32 $0x0;
	[sflag:s23] =	ssyncadd.s32 $0xFFFF9C00  }
0x141: {  	v0 =	vld [tilespmem:s13+$0x3F0]  }
0x142: {  	v1 =	vld [tilespmem:s13+$0x0]  }
0x143: {  	v2 =	vld [tilespmem:s13+$0x10]  }
0x144: {  	v3 =	vld [tilespmem:s13+$0x20]  }
0x145: {  	v4 =	vld [tilespmem:s13+$0x30]  }
0x146: {  	v5 =	vld [tilespmem:s13+$0x40]  }
0x147: {  	v6 =	vld [tilespmem:s13+$0x50]  }
0x148: {  	v7 =	vld [tilespmem:s13+$0x60]  }
0x149: {  	v8 =	vld [tilespmem:s13+$0x70]  }
0x14a: {  	v9 =	vld [tilespmem:s13+$0x80]  }
0x14b: {  	v10 =	vld [tilespmem:s13+$0x90]  }
0x14c: {  	v11 =	vld [tilespmem:s13+$0xA0]  }
0x14d: {  	v12 =	vld [tilespmem:s13+$0xB0]  }
0x14e: {  	v13 =	vld [tilespmem:s13+$0xC0]  }
0x14f: {  	v14 =	vld [tilespmem:s13+$0xD0]  }
0x150: {  	v15 =	vld [tilespmem:s13+$0xE0]  }
0x151: {  	v16 =	vld [tilespmem:s13+$0xF0]  }
0x152: {  	v17 =	vld [tilespmem:s13+$0x100]  }
0x153: {  	v18 =	vld [tilespmem:s13+$0x110]  }
0x154: {  	v19 =	vld [tilespmem:s13+$0x120]  }
0x155: {  	v20 =	vld [tilespmem:s13+$0x130]  }
0x156: {  	v21 =	vld [tilespmem:s13+$0x140]  }
0x157: {  	v22 =	vld [tilespmem:s13+$0x150]  }
0x158: {  	v23 =	vld [tilespmem:s13+$0x160]  }
0x159: {  	v24 =	vld [tilespmem:s13+$0x170]  }
0x15a: {  	v25 =	vld [tilespmem:s13+$0x180]  }
0x15b: {  	v26 =	vld [tilespmem:s13+$0x190]  }
0x15c: {  	v27 =	vld [tilespmem:s13+$0x1A0]  }
0x15d: {  	v28 =	vld [tilespmem:s13+$0x1B0]  }
0x15e: {  	v29 =	vld [tilespmem:s13+$0x1C0]  }
0x15f: {  	v30 =	vld [tilespmem:s13+$0x1D0]  }
0x160: {  	v31 =	vld [tilespmem:s13+$0x1E0]  }
0x161: {  	v32 =	vld [tilespmem:s13+$0x1F0]  }
0x162: {  	v33 =	vld [tilespmem:s13+$0x200]  }
0x163: {  	v34 =	vld [tilespmem:s13+$0x210]  }
0x164: {  	v35 =	vld [tilespmem:s13+$0x220]  }
0x165: {  	v36 =	vld [tilespmem:s13+$0x230]  }
0x166: {  	v37 =	vld [tilespmem:s13+$0x240]  }
0x167: {  	v38 =	vld [tilespmem:s13+$0x250]  }
0x168: {  	v39 =	vld [tilespmem:s13+$0x260]  }
0x169: {  	v40 =	vld [tilespmem:s13+$0x270]  }
0x16a: {  	v41 =	vld [tilespmem:s13+$0x280]  }
0x16b: {  	v42 =	vld [tilespmem:s13+$0x290]  }
0x16c: {  	v43 =	vld [tilespmem:s13+$0x2A0]  }
0x16d: {  	v44 =	vld [tilespmem:s13+$0x2B0]  }
0x16e: {  	v45 =	vld [tilespmem:s13+$0x2C0]  }
0x16f: {  	v46 =	vld [tilespmem:s13+$0x2D0]  }
0x170: {  	v47 =	vld [tilespmem:s13+$0x2E0]  }
0x171: {  	v48 =	vld [tilespmem:s13+$0x2F0]  }
0x172: {  	v49 =	vld [tilespmem:s13+$0x300]  }
0x173: {  	v50 =	vld [tilespmem:s13+$0x310]  }
0x174: {  	v51 =	vld [tilespmem:s13+$0x320]  }
0x175: {  	v52 =	vld [tilespmem:s13+$0x330]  }
0x176: {  	v53 =	vld [tilespmem:s13+$0x340]  }
0x177: {  	v54 =	vld [tilespmem:s13+$0x350]  }
0x178: {  	v55 =	vld [tilespmem:s13+$0x360]  }
0x179: {  	v56 =	vld [tilespmem:s13+$0x370]  }
0x17a: {  	v57 =	vld [tilespmem:s13+$0x380]  }
0x17b: {  	v58 =	vld [tilespmem:s13+$0x390]  }
0x17c: {  	v59 =	vld [tilespmem:s13+$0x3A0]  }
0x17d: {  	v60 =	vld [tilespmem:s13+$0x3B0]  }
0x17e: {  	v61 =	vld [tilespmem:s13+$0x3C0]  }
0x17f: {  	v62 =	vld [tilespmem:s13+$0x3D0]  }
0x180: {  	[tilespmem:s13+$0xE4F0] =	vst.add.f32.msk $0xffff, v0  }
0x181: {  	v0 =	vld [tilespmem:s13+$0x3E0]  }
0x182: {  	[tilespmem:s13+$0xE100] =	vst.add.f32.msk $0xffff, v1  }
0x183: {  	[tilespmem:s13+$0xE110] =	vst.add.f32.msk $0xffff, v2  }
0x184: {  	[tilespmem:s13+$0xE120] =	vst.add.f32.msk $0xffff, v3  }
0x185: {  	[tilespmem:s13+$0xE130] =	vst.add.f32.msk $0xffff, v4  }
0x186: {  	[tilespmem:s13+$0xE140] =	vst.add.f32.msk $0xffff, v5  }
0x187: {  	[tilespmem:s13+$0xE150] =	vst.add.f32.msk $0xffff, v6  }
0x188: {  	[tilespmem:s13+$0xE160] =	vst.add.f32.msk $0xffff, v7  }
0x189: {  	[tilespmem:s13+$0xE170] =	vst.add.f32.msk $0xffff, v8  }
0x18a: {  	[tilespmem:s13+$0xE180] =	vst.add.f32.msk $0xffff, v9  }
0x18b: {  	[tilespmem:s13+$0xE190] =	vst.add.f32.msk $0xffff, v10  }
0x18c: {  	[tilespmem:s13+$0xE1A0] =	vst.add.f32.msk $0xffff, v11  }
0x18d: {  	[tilespmem:s13+$0xE1B0] =	vst.add.f32.msk $0xffff, v12  }
0x18e: {  	[tilespmem:s13+$0xE1C0] =	vst.add.f32.msk $0xffff, v13  }
0x18f: {  	[tilespmem:s13+$0xE1D0] =	vst.add.f32.msk $0xffff, v14  }
0x190: {  	[tilespmem:s13+$0xE1E0] =	vst.add.f32.msk $0xffff, v15  }
0x191: {  	[tilespmem:s13+$0xE1F0] =	vst.add.f32.msk $0xffff, v16  }
0x192: {  	[tilespmem:s13+$0xE200] =	vst.add.f32.msk $0xffff, v17  }
0x193: {  	[tilespmem:s13+$0xE210] =	vst.add.f32.msk $0xffff, v18  }
0x194: {  	[tilespmem:s13+$0xE220] =	vst.add.f32.msk $0xffff, v19  }
0x195: {  	[tilespmem:s13+$0xE230] =	vst.add.f32.msk $0xffff, v20  }
0x196: {  	[tilespmem:s13+$0xE240] =	vst.add.f32.msk $0xffff, v21  }
0x197: {  	[tilespmem:s13+$0xE250] =	vst.add.f32.msk $0xffff, v22  }
0x198: {  	[tilespmem:s13+$0xE260] =	vst.add.f32.msk $0xffff, v23  }
0x199: {  	[tilespmem:s13+$0xE270] =	vst.add.f32.msk $0xffff, v24  }
0x19a: {  	[tilespmem:s13+$0xE280] =	vst.add.f32.msk $0xffff, v25  }
0x19b: {  	[tilespmem:s13+$0xE290] =	vst.add.f32.msk $0xffff, v26  }
0x19c: {  	[tilespmem:s13+$0xE2A0] =	vst.add.f32.msk $0xffff, v27  }
0x19d: {  	[tilespmem:s13+$0xE2B0] =	vst.add.f32.msk $0xffff, v28  }
0x19e: {  	[tilespmem:s13+$0xE2C0] =	vst.add.f32.msk $0xffff, v29  }
0x19f: {  	[tilespmem:s13+$0xE2D0] =	vst.add.f32.msk $0xffff, v30  }
0x1a0: {  	[tilespmem:s13+$0xE2E0] =	vst.add.f32.msk $0xffff, v31  }
0x1a1: {  	[tilespmem:s13+$0xE2F0] =	vst.add.f32.msk $0xffff, v32  }
0x1a2: {  	[tilespmem:s13+$0xE300] =	vst.add.f32.msk $0xffff, v33  }
0x1a3: {  	[tilespmem:s13+$0xE310] =	vst.add.f32.msk $0xffff, v34  }
0x1a4: {  	[tilespmem:s13+$0xE320] =	vst.add.f32.msk $0xffff, v35  }
0x1a5: {  	[tilespmem:s13+$0xE330] =	vst.add.f32.msk $0xffff, v36  }
0x1a6: {  	[tilespmem:s13+$0xE340] =	vst.add.f32.msk $0xffff, v37  }
0x1a7: {  	[tilespmem:s13+$0xE350] =	vst.add.f32.msk $0xffff, v38  }
0x1a8: {  	[tilespmem:s13+$0xE360] =	vst.add.f32.msk $0xffff, v39  }
0x1a9: {  	[tilespmem:s13+$0xE370] =	vst.add.f32.msk $0xffff, v40  }
0x1aa: {  	[tilespmem:s13+$0xE380] =	vst.add.f32.msk $0xffff, v41  }
0x1ab: {  	[tilespmem:s13+$0xE390] =	vst.add.f32.msk $0xffff, v42  }
0x1ac: {  	[tilespmem:s13+$0xE3A0] =	vst.add.f32.msk $0xffff, v43  }
0x1ad: {  	[tilespmem:s13+$0xE3B0] =	vst.add.f32.msk $0xffff, v44  }
0x1ae: {  	[tilespmem:s13+$0xE3C0] =	vst.add.f32.msk $0xffff, v45  }
0x1af: {  	[tilespmem:s13+$0xE3D0] =	vst.add.f32.msk $0xffff, v46  }
0x1b0: {  	[tilespmem:s13+$0xE3E0] =	vst.add.f32.msk $0xffff, v47  }
0x1b1: {  	[tilespmem:s13+$0xE3F0] =	vst.add.f32.msk $0xffff, v48  }
0x1b2: {  	[tilespmem:s13+$0xE400] =	vst.add.f32.msk $0xffff, v49  }
0x1b3: {  	[tilespmem:s13+$0xE410] =	vst.add.f32.msk $0xffff, v50  }
0x1b4: {  	[tilespmem:s13+$0xE420] =	vst.add.f32.msk $0xffff, v51  }
0x1b5: {  	[tilespmem:s13+$0xE430] =	vst.add.f32.msk $0xffff, v52  }
0x1b6: {  	[tilespmem:s13+$0xE440] =	vst.add.f32.msk $0xffff, v53  }
0x1b7: {  	[tilespmem:s13+$0xE450] =	vst.add.f32.msk $0xffff, v54  }
0x1b8: {  	[tilespmem:s13+$0xE460] =	vst.add.f32.msk $0xffff, v55  }
0x1b9: {  	[tilespmem:s13+$0xE470] =	vst.add.f32.msk $0xffff, v56  }
0x1ba: {  	[tilespmem:s13+$0xE480] =	vst.add.f32.msk $0xffff, v57  }
0x1bb: {  	[tilespmem:s13+$0xE490] =	vst.add.f32.msk $0xffff, v58  }
0x1bc: {  	[tilespmem:s13+$0xE4A0] =	vst.add.f32.msk $0xffff, v59  }
0x1bd: {  	[tilespmem:s13+$0xE4B0] =	vst.add.f32.msk $0xffff, v60  }
0x1be: {  	[tilespmem:s13+$0xE4C0] =	vst.add.f32.msk $0xffff, v61  }
0x1bf: {  	s2 =	simm.s32 $0x0;
	s11 =	sadd.s32 $0x190, s10;
	s12 =	simm.s32 $0x1000;
	[tilespmem:s13+$0xE4D0] =	vst.add.f32.msk $0xffff, v62  }
.LBB2_5:
0x1c0: {  	s2 =	sadd.s32 $0x8, s2;
	[tilespmem:s13+$0xE4E0] =	vst.add.f32.msk $0xffff, v0;
	s13 =	sshra.s32 s12, $0x2  }
0x1c1: {  	v0 =	vld [tilespmem:s13+$0x3F0];
	p0 =	slt.u32 s2, $0xC0  }
0x1c2: {  	v1 =	vld [tilespmem:s13+$0x0]  }
0x1c3: {  	v2 =	vld [tilespmem:s13+$0x10]  }
0x1c4: {  	v3 =	vld [tilespmem:s13+$0x20]  }
0x1c5: {  	v4 =	vld [tilespmem:s13+$0x30]  }
0x1c6: {  	[tilespmem:s13+$0xE4F0] =	vst.add.f32.msk $0xffff, v0  }
0x1c7: {  	v5 =	vld [tilespmem:s13+$0x40]  }
0x1c8: {  	v6 =	vld [tilespmem:s13+$0x50]  }
0x1c9: {  	v7 =	vld [tilespmem:s13+$0x60]  }
0x1ca: {  	v8 =	vld [tilespmem:s13+$0x70]  }
0x1cb: {  	v9 =	vld [tilespmem:s13+$0x80]  }
0x1cc: {  	v10 =	vld [tilespmem:s13+$0x90]  }
0x1cd: {  	v11 =	vld [tilespmem:s13+$0xA0]  }
0x1ce: {  	v12 =	vld [tilespmem:s13+$0xB0]  }
0x1cf: {  	v13 =	vld [tilespmem:s13+$0xC0]  }
0x1d0: {  	v14 =	vld [tilespmem:s13+$0xD0]  }
0x1d1: {  	v15 =	vld [tilespmem:s13+$0xE0]  }
0x1d2: {  	v16 =	vld [tilespmem:s13+$0xF0]  }
0x1d3: {  	v17 =	vld [tilespmem:s13+$0x100]  }
0x1d4: {  	v18 =	vld [tilespmem:s13+$0x110]  }
0x1d5: {  	v19 =	vld [tilespmem:s13+$0x120]  }
0x1d6: {  	v20 =	vld [tilespmem:s13+$0x130]  }
0x1d7: {  	v21 =	vld [tilespmem:s13+$0x140]  }
0x1d8: {  	v22 =	vld [tilespmem:s13+$0x150]  }
0x1d9: {  	v23 =	vld [tilespmem:s13+$0x160]  }
0x1da: {  	v24 =	vld [tilespmem:s13+$0x170]  }
0x1db: {  	v25 =	vld [tilespmem:s13+$0x180]  }
0x1dc: {  	v26 =	vld [tilespmem:s13+$0x190]  }
0x1dd: {  	v27 =	vld [tilespmem:s13+$0x1A0]  }
0x1de: {  	v28 =	vld [tilespmem:s13+$0x1B0]  }
0x1df: {  	v29 =	vld [tilespmem:s13+$0x1C0]  }
0x1e0: {  	v30 =	vld [tilespmem:s13+$0x1D0]  }
0x1e1: {  	v31 =	vld [tilespmem:s13+$0x1E0]  }
0x1e2: {  	v32 =	vld [tilespmem:s13+$0x1F0]  }
0x1e3: {  	v33 =	vld [tilespmem:s13+$0x200]  }
0x1e4: {  	v34 =	vld [tilespmem:s13+$0x210]  }
0x1e5: {  	v35 =	vld [tilespmem:s13+$0x220]  }
0x1e6: {  	v36 =	vld [tilespmem:s13+$0x230]  }
0x1e7: {  	v37 =	vld [tilespmem:s13+$0x240]  }
0x1e8: {  	v38 =	vld [tilespmem:s13+$0x250]  }
0x1e9: {  	v39 =	vld [tilespmem:s13+$0x260]  }
0x1ea: {  	v40 =	vld [tilespmem:s13+$0x270]  }
0x1eb: {  	v41 =	vld [tilespmem:s13+$0x280]  }
0x1ec: {  	v42 =	vld [tilespmem:s13+$0x290]  }
0x1ed: {  	v43 =	vld [tilespmem:s13+$0x2A0]  }
0x1ee: {  	v44 =	vld [tilespmem:s13+$0x2B0]  }
0x1ef: {  	v45 =	vld [tilespmem:s13+$0x2C0]  }
0x1f0: {  	v46 =	vld [tilespmem:s13+$0x2D0]  }
0x1f1: {  	v47 =	vld [tilespmem:s13+$0x2E0]  }
0x1f2: {  	v48 =	vld [tilespmem:s13+$0x2F0]  }
0x1f3: {  	v49 =	vld [tilespmem:s13+$0x300]  }
0x1f4: {  	v50 =	vld [tilespmem:s13+$0x310]  }
0x1f5: {  	v51 =	vld [tilespmem:s13+$0x320]  }
0x1f6: {  	v52 =	vld [tilespmem:s13+$0x330]  }
0x1f7: {  	v53 =	vld [tilespmem:s13+$0x340]  }
0x1f8: {  	v54 =	vld [tilespmem:s13+$0x350]  }
0x1f9: {  	v55 =	vld [tilespmem:s13+$0x360]  }
0x1fa: {  	v56 =	vld [tilespmem:s13+$0x370]  }
0x1fb: {  	v57 =	vld [tilespmem:s13+$0x380]  }
0x1fc: {  	v58 =	vld [tilespmem:s13+$0x390]  }
0x1fd: {  	v59 =	vld [tilespmem:s13+$0x3A0]  }
0x1fe: {  	v60 =	vld [tilespmem:s13+$0x3B0]  }
0x1ff: {  	v61 =	vld [tilespmem:s13+$0x3C0]  }
0x200: {  	v62 =	vld [tilespmem:s13+$0x3D0]  }
0x201: {  	v0 =	vld [tilespmem:s13+$0x3E0]  }
0x202: {  	[tilespmem:s13+$0xE100] =	vst.add.f32.msk $0xffff, v1  }
0x203: {  	[tilespmem:s13+$0xE110] =	vst.add.f32.msk $0xffff, v2  }
0x204: {  	[tilespmem:s13+$0xE120] =	vst.add.f32.msk $0xffff, v3  }
0x205: {  	[tilespmem:s13+$0xE130] =	vst.add.f32.msk $0xffff, v4  }
0x206: {  	[tilespmem:s13+$0xE140] =	vst.add.f32.msk $0xffff, v5  }
0x207: {  	[tilespmem:s13+$0xE150] =	vst.add.f32.msk $0xffff, v6  }
0x208: {  	[tilespmem:s13+$0xE160] =	vst.add.f32.msk $0xffff, v7  }
0x209: {  	[tilespmem:s13+$0xE170] =	vst.add.f32.msk $0xffff, v8  }
0x20a: {  	[tilespmem:s13+$0xE180] =	vst.add.f32.msk $0xffff, v9  }
0x20b: {  	[tilespmem:s13+$0xE190] =	vst.add.f32.msk $0xffff, v10  }
0x20c: {  	[tilespmem:s13+$0xE1A0] =	vst.add.f32.msk $0xffff, v11  }
0x20d: {  	[tilespmem:s13+$0xE1B0] =	vst.add.f32.msk $0xffff, v12  }
0x20e: {  	[tilespmem:s13+$0xE1C0] =	vst.add.f32.msk $0xffff, v13  }
0x20f: {  	[tilespmem:s13+$0xE1D0] =	vst.add.f32.msk $0xffff, v14  }
0x210: {  	[tilespmem:s13+$0xE1E0] =	vst.add.f32.msk $0xffff, v15  }
0x211: {  	[tilespmem:s13+$0xE1F0] =	vst.add.f32.msk $0xffff, v16  }
0x212: {  	[tilespmem:s13+$0xE200] =	vst.add.f32.msk $0xffff, v17  }
0x213: {  	[tilespmem:s13+$0xE210] =	vst.add.f32.msk $0xffff, v18  }
0x214: {  	[tilespmem:s13+$0xE220] =	vst.add.f32.msk $0xffff, v19  }
0x215: {  	[tilespmem:s13+$0xE230] =	vst.add.f32.msk $0xffff, v20  }
0x216: {  	[tilespmem:s13+$0xE240] =	vst.add.f32.msk $0xffff, v21  }
0x217: {  	[tilespmem:s13+$0xE250] =	vst.add.f32.msk $0xffff, v22  }
0x218: {  	[tilespmem:s13+$0xE260] =	vst.add.f32.msk $0xffff, v23  }
0x219: {  	[tilespmem:s13+$0xE270] =	vst.add.f32.msk $0xffff, v24  }
0x21a: {  	[tilespmem:s13+$0xE280] =	vst.add.f32.msk $0xffff, v25  }
0x21b: {  	[tilespmem:s13+$0xE290] =	vst.add.f32.msk $0xffff, v26  }
0x21c: {  	[tilespmem:s13+$0xE2A0] =	vst.add.f32.msk $0xffff, v27  }
0x21d: {  	[tilespmem:s13+$0xE2B0] =	vst.add.f32.msk $0xffff, v28  }
0x21e: {  	[tilespmem:s13+$0xE2C0] =	vst.add.f32.msk $0xffff, v29  }
0x21f: {  	[tilespmem:s13+$0xE2D0] =	vst.add.f32.msk $0xffff, v30  }
0x220: {  	[tilespmem:s13+$0xE2E0] =	vst.add.f32.msk $0xffff, v31  }
0x221: {  	[tilespmem:s13+$0xE2F0] =	vst.add.f32.msk $0xffff, v32  }
0x222: {  	[tilespmem:s13+$0xE300] =	vst.add.f32.msk $0xffff, v33  }
0x223: {  	[tilespmem:s13+$0xE310] =	vst.add.f32.msk $0xffff, v34  }
0x224: {  	[tilespmem:s13+$0xE320] =	vst.add.f32.msk $0xffff, v35  }
0x225: {  	[tilespmem:s13+$0xE330] =	vst.add.f32.msk $0xffff, v36  }
0x226: {  	[tilespmem:s13+$0xE340] =	vst.add.f32.msk $0xffff, v37  }
0x227: {  	[tilespmem:s13+$0xE350] =	vst.add.f32.msk $0xffff, v38  }
0x228: {  	[tilespmem:s13+$0xE360] =	vst.add.f32.msk $0xffff, v39  }
0x229: {  	[tilespmem:s13+$0xE370] =	vst.add.f32.msk $0xffff, v40  }
0x22a: {  	[tilespmem:s13+$0xE380] =	vst.add.f32.msk $0xffff, v41  }
0x22b: {  	[tilespmem:s13+$0xE390] =	vst.add.f32.msk $0xffff, v42  }
0x22c: {  	[tilespmem:s13+$0xE3A0] =	vst.add.f32.msk $0xffff, v43  }
0x22d: {  	[tilespmem:s13+$0xE3B0] =	vst.add.f32.msk $0xffff, v44  }
0x22e: {  	[tilespmem:s13+$0xE3C0] =	vst.add.f32.msk $0xffff, v45  }
0x22f: {  	[tilespmem:s13+$0xE3D0] =	vst.add.f32.msk $0xffff, v46  }
0x230: {  	[tilespmem:s13+$0xE3E0] =	vst.add.f32.msk $0xffff, v47  }
0x231: {  	[tilespmem:s13+$0xE3F0] =	vst.add.f32.msk $0xffff, v48  }
0x232: {  	[tilespmem:s13+$0xE400] =	vst.add.f32.msk $0xffff, v49  }
0x233: {  	[tilespmem:s13+$0xE410] =	vst.add.f32.msk $0xffff, v50  }
0x234: {  	[tilespmem:s13+$0xE420] =	vst.add.f32.msk $0xffff, v51  }
0x235: {  	[tilespmem:s13+$0xE430] =	vst.add.f32.msk $0xffff, v52  }
0x236: {  	[tilespmem:s13+$0xE440] =	vst.add.f32.msk $0xffff, v53  }
0x237: {  	[tilespmem:s13+$0xE450] =	vst.add.f32.msk $0xffff, v54  }
0x238: {  	[tilespmem:s13+$0xE460] =	vst.add.f32.msk $0xffff, v55  }
0x239: {  	[tilespmem:s13+$0xE470] =	vst.add.f32.msk $0xffff, v56  }
0x23a: {  	[tilespmem:s13+$0xE480] =	vst.add.f32.msk $0xffff, v57  }
.Ltmp1:
0x23b: {  	[tilespmem:s13+$0xE490] =	vst.add.f32.msk $0xffff, v58;
	(pc) =	sbr.rel @p0 .LBB2_5-.Ltmp1, $4  }
0x23c: {  	[tilespmem:s13+$0xE4A0] =	vst.add.f32.msk $0xffff, v59  }
0x23d: {  	[tilespmem:s13+$0xE4B0] =	vst.add.f32.msk $0xffff, v60  }
0x23e: {  	[tilespmem:s13+$0xE4C0] =	vst.add.f32.msk $0xffff, v61  }
0x23f: {  	s12 =	sadd.s32 $0x1000, s12;
	[tilespmem:s13+$0xE4D0] =	vst.add.f32.msk $0xffff, v62  }
0x240: {  	s2 =	sadd.s32 s10, s8  }
0x241: {  	s2 =	sshll.u32 s2, $0x4  }
0x242: {  	[tilespmem:s13+$0xE4E0] =	vst.add.f32.msk $0xffff, v0;
	s12 =	simm.s32 $0x0;
	s2 =	sadd.s32 s4, s2  }
0x243: {  	[hbm4b:s2+s12] =	stream.linear.scatter [tilespmem:s24], [sflag:$0x5], $0x6400, $0x38;
	[tilespmem:$0x1A900] =	vst v63  }
0x244: {  	_ =	swait.ge [sflag:s25], $0x6400  }
0x245: {  	[sflag:s25] =	ssyncset.done $0x0  }
0x246: {  	s12 =	sadd.s32 $0x6658, s10;
	[sflag:s25] =	ssyncadd.s32 $0xFFFF9C00  }
0x247: {  	[tilespmem:s15], [sflag:$0x1] =	stream.indirect.gather [hbm4b:s1+s14], $0x80, s12, s14, $0xb8;
	[tilespmem:$0x1A900] =	vst v63  }
0x248: {  	s13 =	sadd.s32 $0x6690, s10  }
0x249: {  	[tilespmem:s18], [sflag:$0x1] =	stream.indirect.gather [hbm4b:s1+s16], $0x80, s13, s16, $0xb8;
	[tilespmem:$0x1A900] =	vst v63  }
0x24a: {  	s12 =	sadd.s32 $0x66C0, s10  }
0x24b: {  	[tilespmem:s20], [sflag:$0x1] =	stream.indirect.gather [hbm4b:s1+s16], $0x80, s12, s16, $0xb8;
	[tilespmem:$0x1A900] =	vst v63  }
0x24c: {  	s13 =	sadd.s32 $0x66F0, s10  }
0x24d: {  	[tilespmem:s22], [sflag:$0x1] =	stream.indirect.gather [hbm4b:s1+s16], $0x80, s13, s16, $0xb8;
	[tilespmem:$0x1A900] =	vst v63  }
0x24e: {  	_ =	swait.ge [sflag:s28], $0x6400  }
0x24f: {  	[sflag:s28] =	ssyncset.done $0x0  }
0x250: {  	s13 =	simm.s32 $0x0;
	[sflag:s28] =	ssyncadd.s32 $0xFFFF9C00  }
0x251: {  	v0 =	vld [tilespmem:s13+$0x3F0]  }
0x252: {  	v1 =	vld [tilespmem:s13+$0x0]  }
0x253: {  	v2 =	vld [tilespmem:s13+$0x10]  }
0x254: {  	v3 =	vld [tilespmem:s13+$0x20]  }
0x255: {  	v4 =	vld [tilespmem:s13+$0x30]  }
0x256: {  	v5 =	vld [tilespmem:s13+$0x40]  }
0x257: {  	v6 =	vld [tilespmem:s13+$0x50]  }
0x258: {  	v7 =	vld [tilespmem:s13+$0x60]  }
0x259: {  	v8 =	vld [tilespmem:s13+$0x70]  }
0x25a: {  	v9 =	vld [tilespmem:s13+$0x80]  }
0x25b: {  	v10 =	vld [tilespmem:s13+$0x90]  }
0x25c: {  	v11 =	vld [tilespmem:s13+$0xA0]  }
0x25d: {  	v12 =	vld [tilespmem:s13+$0xB0]  }
0x25e: {  	v13 =	vld [tilespmem:s13+$0xC0]  }
0x25f: {  	v14 =	vld [tilespmem:s13+$0xD0]  }
0x260: {  	v15 =	vld [tilespmem:s13+$0xE0]  }
0x261: {  	v16 =	vld [tilespmem:s13+$0xF0]  }
0x262: {  	v17 =	vld [tilespmem:s13+$0x100]  }
0x263: {  	v18 =	vld [tilespmem:s13+$0x110]  }
0x264: {  	v19 =	vld [tilespmem:s13+$0x120]  }
0x265: {  	v20 =	vld [tilespmem:s13+$0x130]  }
0x266: {  	v21 =	vld [tilespmem:s13+$0x140]  }
0x267: {  	v22 =	vld [tilespmem:s13+$0x150]  }
0x268: {  	v23 =	vld [tilespmem:s13+$0x160]  }
0x269: {  	v24 =	vld [tilespmem:s13+$0x170]  }
0x26a: {  	v25 =	vld [tilespmem:s13+$0x180]  }
0x26b: {  	v26 =	vld [tilespmem:s13+$0x190]  }
0x26c: {  	v27 =	vld [tilespmem:s13+$0x1A0]  }
0x26d: {  	v28 =	vld [tilespmem:s13+$0x1B0]  }
0x26e: {  	v29 =	vld [tilespmem:s13+$0x1C0]  }
0x26f: {  	v30 =	vld [tilespmem:s13+$0x1D0]  }
0x270: {  	v31 =	vld [tilespmem:s13+$0x1E0]  }
0x271: {  	v32 =	vld [tilespmem:s13+$0x1F0]  }
0x272: {  	v33 =	vld [tilespmem:s13+$0x200]  }
0x273: {  	v34 =	vld [tilespmem:s13+$0x210]  }
0x274: {  	v35 =	vld [tilespmem:s13+$0x220]  }
0x275: {  	v36 =	vld [tilespmem:s13+$0x230]  }
0x276: {  	v37 =	vld [tilespmem:s13+$0x240]  }
0x277: {  	v38 =	vld [tilespmem:s13+$0x250]  }
0x278: {  	v39 =	vld [tilespmem:s13+$0x260]  }
0x279: {  	v40 =	vld [tilespmem:s13+$0x270]  }
0x27a: {  	v41 =	vld [tilespmem:s13+$0x280]  }
0x27b: {  	v42 =	vld [tilespmem:s13+$0x290]  }
0x27c: {  	v43 =	vld [tilespmem:s13+$0x2A0]  }
0x27d: {  	v44 =	vld [tilespmem:s13+$0x2B0]  }
0x27e: {  	v45 =	vld [tilespmem:s13+$0x2C0]  }
0x27f: {  	v46 =	vld [tilespmem:s13+$0x2D0]  }
0x280: {  	v47 =	vld [tilespmem:s13+$0x2E0]  }
0x281: {  	v48 =	vld [tilespmem:s13+$0x2F0]  }
0x282: {  	v49 =	vld [tilespmem:s13+$0x300]  }
0x283: {  	v50 =	vld [tilespmem:s13+$0x310]  }
0x284: {  	v51 =	vld [tilespmem:s13+$0x320]  }
0x285: {  	v52 =	vld [tilespmem:s13+$0x330]  }
0x286: {  	v53 =	vld [tilespmem:s13+$0x340]  }
0x287: {  	v54 =	vld [tilespmem:s13+$0x350]  }
0x288: {  	v55 =	vld [tilespmem:s13+$0x360]  }
0x289: {  	v56 =	vld [tilespmem:s13+$0x370]  }
0x28a: {  	v57 =	vld [tilespmem:s13+$0x380]  }
0x28b: {  	v58 =	vld [tilespmem:s13+$0x390]  }
0x28c: {  	v59 =	vld [tilespmem:s13+$0x3A0]  }
0x28d: {  	v60 =	vld [tilespmem:s13+$0x3B0]  }
0x28e: {  	v61 =	vld [tilespmem:s13+$0x3C0]  }
0x28f: {  	v62 =	vld [tilespmem:s13+$0x3D0]  }
0x290: {  	[tilespmem:s13+$0x148F0] =	vst.add.f32.msk $0xffff, v0  }
0x291: {  	v0 =	vld [tilespmem:s13+$0x3E0]  }
0x292: {  	[tilespmem:s13+$0x14500] =	vst.add.f32.msk $0xffff, v1  }
0x293: {  	[tilespmem:s13+$0x14510] =	vst.add.f32.msk $0xffff, v2  }
0x294: {  	[tilespmem:s13+$0x14520] =	vst.add.f32.msk $0xffff, v3  }
0x295: {  	[tilespmem:s13+$0x14530] =	vst.add.f32.msk $0xffff, v4  }
0x296: {  	[tilespmem:s13+$0x14540] =	vst.add.f32.msk $0xffff, v5  }
0x297: {  	[tilespmem:s13+$0x14550] =	vst.add.f32.msk $0xffff, v6  }
0x298: {  	[tilespmem:s13+$0x14560] =	vst.add.f32.msk $0xffff, v7  }
0x299: {  	[tilespmem:s13+$0x14570] =	vst.add.f32.msk $0xffff, v8  }
0x29a: {  	[tilespmem:s13+$0x14580] =	vst.add.f32.msk $0xffff, v9  }
0x29b: {  	[tilespmem:s13+$0x14590] =	vst.add.f32.msk $0xffff, v10  }
0x29c: {  	[tilespmem:s13+$0x145A0] =	vst.add.f32.msk $0xffff, v11  }
0x29d: {  	[tilespmem:s13+$0x145B0] =	vst.add.f32.msk $0xffff, v12  }
0x29e: {  	[tilespmem:s13+$0x145C0] =	vst.add.f32.msk $0xffff, v13  }
0x29f: {  	[tilespmem:s13+$0x145D0] =	vst.add.f32.msk $0xffff, v14  }
0x2a0: {  	[tilespmem:s13+$0x145E0] =	vst.add.f32.msk $0xffff, v15  }
0x2a1: {  	[tilespmem:s13+$0x145F0] =	vst.add.f32.msk $0xffff, v16  }
0x2a2: {  	[tilespmem:s13+$0x14600] =	vst.add.f32.msk $0xffff, v17  }
0x2a3: {  	[tilespmem:s13+$0x14610] =	vst.add.f32.msk $0xffff, v18  }
0x2a4: {  	[tilespmem:s13+$0x14620] =	vst.add.f32.msk $0xffff, v19  }
0x2a5: {  	[tilespmem:s13+$0x14630] =	vst.add.f32.msk $0xffff, v20  }
0x2a6: {  	[tilespmem:s13+$0x14640] =	vst.add.f32.msk $0xffff, v21  }
0x2a7: {  	[tilespmem:s13+$0x14650] =	vst.add.f32.msk $0xffff, v22  }
0x2a8: {  	[tilespmem:s13+$0x14660] =	vst.add.f32.msk $0xffff, v23  }
0x2a9: {  	[tilespmem:s13+$0x14670] =	vst.add.f32.msk $0xffff, v24  }
0x2aa: {  	[tilespmem:s13+$0x14680] =	vst.add.f32.msk $0xffff, v25  }
0x2ab: {  	[tilespmem:s13+$0x14690] =	vst.add.f32.msk $0xffff, v26  }
0x2ac: {  	[tilespmem:s13+$0x146A0] =	vst.add.f32.msk $0xffff, v27  }
0x2ad: {  	[tilespmem:s13+$0x146B0] =	vst.add.f32.msk $0xffff, v28  }
0x2ae: {  	[tilespmem:s13+$0x146C0] =	vst.add.f32.msk $0xffff, v29  }
0x2af: {  	[tilespmem:s13+$0x146D0] =	vst.add.f32.msk $0xffff, v30  }
0x2b0: {  	[tilespmem:s13+$0x146E0] =	vst.add.f32.msk $0xffff, v31  }
0x2b1: {  	[tilespmem:s13+$0x146F0] =	vst.add.f32.msk $0xffff, v32  }
0x2b2: {  	[tilespmem:s13+$0x14700] =	vst.add.f32.msk $0xffff, v33  }
0x2b3: {  	[tilespmem:s13+$0x14710] =	vst.add.f32.msk $0xffff, v34  }
0x2b4: {  	[tilespmem:s13+$0x14720] =	vst.add.f32.msk $0xffff, v35  }
0x2b5: {  	[tilespmem:s13+$0x14730] =	vst.add.f32.msk $0xffff, v36  }
0x2b6: {  	[tilespmem:s13+$0x14740] =	vst.add.f32.msk $0xffff, v37  }
0x2b7: {  	[tilespmem:s13+$0x14750] =	vst.add.f32.msk $0xffff, v38  }
0x2b8: {  	[tilespmem:s13+$0x14760] =	vst.add.f32.msk $0xffff, v39  }
0x2b9: {  	[tilespmem:s13+$0x14770] =	vst.add.f32.msk $0xffff, v40  }
0x2ba: {  	[tilespmem:s13+$0x14780] =	vst.add.f32.msk $0xffff, v41  }
0x2bb: {  	[tilespmem:s13+$0x14790] =	vst.add.f32.msk $0xffff, v42  }
0x2bc: {  	[tilespmem:s13+$0x147A0] =	vst.add.f32.msk $0xffff, v43  }
0x2bd: {  	[tilespmem:s13+$0x147B0] =	vst.add.f32.msk $0xffff, v44  }
0x2be: {  	[tilespmem:s13+$0x147C0] =	vst.add.f32.msk $0xffff, v45  }
0x2bf: {  	[tilespmem:s13+$0x147D0] =	vst.add.f32.msk $0xffff, v46  }
0x2c0: {  	[tilespmem:s13+$0x147E0] =	vst.add.f32.msk $0xffff, v47  }
0x2c1: {  	[tilespmem:s13+$0x147F0] =	vst.add.f32.msk $0xffff, v48  }
0x2c2: {  	[tilespmem:s13+$0x14800] =	vst.add.f32.msk $0xffff, v49  }
0x2c3: {  	[tilespmem:s13+$0x14810] =	vst.add.f32.msk $0xffff, v50  }
0x2c4: {  	[tilespmem:s13+$0x14820] =	vst.add.f32.msk $0xffff, v51  }
0x2c5: {  	[tilespmem:s13+$0x14830] =	vst.add.f32.msk $0xffff, v52  }
0x2c6: {  	[tilespmem:s13+$0x14840] =	vst.add.f32.msk $0xffff, v53  }
0x2c7: {  	[tilespmem:s13+$0x14850] =	vst.add.f32.msk $0xffff, v54  }
0x2c8: {  	[tilespmem:s13+$0x14860] =	vst.add.f32.msk $0xffff, v55  }
0x2c9: {  	[tilespmem:s13+$0x14870] =	vst.add.f32.msk $0xffff, v56  }
0x2ca: {  	[tilespmem:s13+$0x14880] =	vst.add.f32.msk $0xffff, v57  }
0x2cb: {  	[tilespmem:s13+$0x14890] =	vst.add.f32.msk $0xffff, v58  }
0x2cc: {  	[tilespmem:s13+$0x148A0] =	vst.add.f32.msk $0xffff, v59  }
0x2cd: {  	[tilespmem:s13+$0x148B0] =	vst.add.f32.msk $0xffff, v60  }
0x2ce: {  	[tilespmem:s13+$0x148C0] =	vst.add.f32.msk $0xffff, v61  }
0x2cf: {  	s2 =	simm.s32 $0x0;
	s12 =	simm.s32 $0x1000;
	[tilespmem:s13+$0x148D0] =	vst.add.f32.msk $0xffff, v62  }
.LBB2_7:
0x2d0: {  	s2 =	sadd.s32 $0x8, s2;
	[tilespmem:s13+$0x148E0] =	vst.add.f32.msk $0xffff, v0;
	s13 =	sshra.s32 s12, $0x2  }
0x2d1: {  	v0 =	vld [tilespmem:s13+$0x3F0];
	p0 =	slt.u32 s2, $0xC0  }
0x2d2: {  	v1 =	vld [tilespmem:s13+$0x0]  }
0x2d3: {  	v2 =	vld [tilespmem:s13+$0x10]  }
0x2d4: {  	v3 =	vld [tilespmem:s13+$0x20]  }
0x2d5: {  	v4 =	vld [tilespmem:s13+$0x30]  }
0x2d6: {  	[tilespmem:s13+$0x148F0] =	vst.add.f32.msk $0xffff, v0  }
0x2d7: {  	v5 =	vld [tilespmem:s13+$0x40]  }
0x2d8: {  	v6 =	vld [tilespmem:s13+$0x50]  }
0x2d9: {  	v7 =	vld [tilespmem:s13+$0x60]  }
0x2da: {  	v8 =	vld [tilespmem:s13+$0x70]  }
0x2db: {  	v9 =	vld [tilespmem:s13+$0x80]  }
0x2dc: {  	v10 =	vld [tilespmem:s13+$0x90]  }
0x2dd: {  	v11 =	vld [tilespmem:s13+$0xA0]  }
0x2de: {  	v12 =	vld [tilespmem:s13+$0xB0]  }
0x2df: {  	v13 =	vld [tilespmem:s13+$0xC0]  }
0x2e0: {  	v14 =	vld [tilespmem:s13+$0xD0]  }
0x2e1: {  	v15 =	vld [tilespmem:s13+$0xE0]  }
0x2e2: {  	v16 =	vld [tilespmem:s13+$0xF0]  }
0x2e3: {  	v17 =	vld [tilespmem:s13+$0x100]  }
0x2e4: {  	v18 =	vld [tilespmem:s13+$0x110]  }
0x2e5: {  	v19 =	vld [tilespmem:s13+$0x120]  }
0x2e6: {  	v20 =	vld [tilespmem:s13+$0x130]  }
0x2e7: {  	v21 =	vld [tilespmem:s13+$0x140]  }
0x2e8: {  	v22 =	vld [tilespmem:s13+$0x150]  }
0x2e9: {  	v23 =	vld [tilespmem:s13+$0x160]  }
0x2ea: {  	v24 =	vld [tilespmem:s13+$0x170]  }
0x2eb: {  	v25 =	vld [tilespmem:s13+$0x180]  }
0x2ec: {  	v26 =	vld [tilespmem:s13+$0x190]  }
0x2ed: {  	v27 =	vld [tilespmem:s13+$0x1A0]  }
0x2ee: {  	v28 =	vld [tilespmem:s13+$0x1B0]  }
0x2ef: {  	v29 =	vld [tilespmem:s13+$0x1C0]  }
0x2f0: {  	v30 =	vld [tilespmem:s13+$0x1D0]  }
0x2f1: {  	v31 =	vld [tilespmem:s13+$0x1E0]  }
0x2f2: {  	v32 =	vld [tilespmem:s13+$0x1F0]  }
0x2f3: {  	v33 =	vld [tilespmem:s13+$0x200]  }
0x2f4: {  	v34 =	vld [tilespmem:s13+$0x210]  }
0x2f5: {  	v35 =	vld [tilespmem:s13+$0x220]  }
0x2f6: {  	v36 =	vld [tilespmem:s13+$0x230]  }
0x2f7: {  	v37 =	vld [tilespmem:s13+$0x240]  }
0x2f8: {  	v38 =	vld [tilespmem:s13+$0x250]  }
0x2f9: {  	v39 =	vld [tilespmem:s13+$0x260]  }
0x2fa: {  	v40 =	vld [tilespmem:s13+$0x270]  }
0x2fb: {  	v41 =	vld [tilespmem:s13+$0x280]  }
0x2fc: {  	v42 =	vld [tilespmem:s13+$0x290]  }
0x2fd: {  	v43 =	vld [tilespmem:s13+$0x2A0]  }
0x2fe: {  	v44 =	vld [tilespmem:s13+$0x2B0]  }
0x2ff: {  	v45 =	vld [tilespmem:s13+$0x2C0]  }
0x300: {  	v46 =	vld [tilespmem:s13+$0x2D0]  }
0x301: {  	v47 =	vld [tilespmem:s13+$0x2E0]  }
0x302: {  	v48 =	vld [tilespmem:s13+$0x2F0]  }
0x303: {  	v49 =	vld [tilespmem:s13+$0x300]  }
0x304: {  	v50 =	vld [tilespmem:s13+$0x310]  }
0x305: {  	v51 =	vld [tilespmem:s13+$0x320]  }
0x306: {  	v52 =	vld [tilespmem:s13+$0x330]  }
0x307: {  	v53 =	vld [tilespmem:s13+$0x340]  }
0x308: {  	v54 =	vld [tilespmem:s13+$0x350]  }
0x309: {  	v55 =	vld [tilespmem:s13+$0x360]  }
0x30a: {  	v56 =	vld [tilespmem:s13+$0x370]  }
0x30b: {  	v57 =	vld [tilespmem:s13+$0x380]  }
0x30c: {  	v58 =	vld [tilespmem:s13+$0x390]  }
0x30d: {  	v59 =	vld [tilespmem:s13+$0x3A0]  }
0x30e: {  	v60 =	vld [tilespmem:s13+$0x3B0]  }
0x30f: {  	v61 =	vld [tilespmem:s13+$0x3C0]  }
0x310: {  	v62 =	vld [tilespmem:s13+$0x3D0]  }
0x311: {  	v0 =	vld [tilespmem:s13+$0x3E0]  }
0x312: {  	[tilespmem:s13+$0x14500] =	vst.add.f32.msk $0xffff, v1  }
0x313: {  	[tilespmem:s13+$0x14510] =	vst.add.f32.msk $0xffff, v2  }
0x314: {  	[tilespmem:s13+$0x14520] =	vst.add.f32.msk $0xffff, v3  }
0x315: {  	[tilespmem:s13+$0x14530] =	vst.add.f32.msk $0xffff, v4  }
0x316: {  	[tilespmem:s13+$0x14540] =	vst.add.f32.msk $0xffff, v5  }
0x317: {  	[tilespmem:s13+$0x14550] =	vst.add.f32.msk $0xffff, v6  }
0x318: {  	[tilespmem:s13+$0x14560] =	vst.add.f32.msk $0xffff, v7  }
0x319: {  	[tilespmem:s13+$0x14570] =	vst.add.f32.msk $0xffff, v8  }
0x31a: {  	[tilespmem:s13+$0x14580] =	vst.add.f32.msk $0xffff, v9  }
0x31b: {  	[tilespmem:s13+$0x14590] =	vst.add.f32.msk $0xffff, v10  }
0x31c: {  	[tilespmem:s13+$0x145A0] =	vst.add.f32.msk $0xffff, v11  }
0x31d: {  	[tilespmem:s13+$0x145B0] =	vst.add.f32.msk $0xffff, v12  }
0x31e: {  	[tilespmem:s13+$0x145C0] =	vst.add.f32.msk $0xffff, v13  }
0x31f: {  	[tilespmem:s13+$0x145D0] =	vst.add.f32.msk $0xffff, v14  }
0x320: {  	[tilespmem:s13+$0x145E0] =	vst.add.f32.msk $0xffff, v15  }
0x321: {  	[tilespmem:s13+$0x145F0] =	vst.add.f32.msk $0xffff, v16  }
0x322: {  	[tilespmem:s13+$0x14600] =	vst.add.f32.msk $0xffff, v17  }
0x323: {  	[tilespmem:s13+$0x14610] =	vst.add.f32.msk $0xffff, v18  }
0x324: {  	[tilespmem:s13+$0x14620] =	vst.add.f32.msk $0xffff, v19  }
0x325: {  	[tilespmem:s13+$0x14630] =	vst.add.f32.msk $0xffff, v20  }
0x326: {  	[tilespmem:s13+$0x14640] =	vst.add.f32.msk $0xffff, v21  }
0x327: {  	[tilespmem:s13+$0x14650] =	vst.add.f32.msk $0xffff, v22  }
0x328: {  	[tilespmem:s13+$0x14660] =	vst.add.f32.msk $0xffff, v23  }
0x329: {  	[tilespmem:s13+$0x14670] =	vst.add.f32.msk $0xffff, v24  }
0x32a: {  	[tilespmem:s13+$0x14680] =	vst.add.f32.msk $0xffff, v25  }
0x32b: {  	[tilespmem:s13+$0x14690] =	vst.add.f32.msk $0xffff, v26  }
0x32c: {  	[tilespmem:s13+$0x146A0] =	vst.add.f32.msk $0xffff, v27  }
0x32d: {  	[tilespmem:s13+$0x146B0] =	vst.add.f32.msk $0xffff, v28  }
0x32e: {  	[tilespmem:s13+$0x146C0] =	vst.add.f32.msk $0xffff, v29  }
0x32f: {  	[tilespmem:s13+$0x146D0] =	vst.add.f32.msk $0xffff, v30  }
0x330: {  	[tilespmem:s13+$0x146E0] =	vst.add.f32.msk $0xffff, v31  }
0x331: {  	[tilespmem:s13+$0x146F0] =	vst.add.f32.msk $0xffff, v32  }
0x332: {  	[tilespmem:s13+$0x14700] =	vst.add.f32.msk $0xffff, v33  }
0x333: {  	[tilespmem:s13+$0x14710] =	vst.add.f32.msk $0xffff, v34  }
0x334: {  	[tilespmem:s13+$0x14720] =	vst.add.f32.msk $0xffff, v35  }
0x335: {  	[tilespmem:s13+$0x14730] =	vst.add.f32.msk $0xffff, v36  }
0x336: {  	[tilespmem:s13+$0x14740] =	vst.add.f32.msk $0xffff, v37  }
0x337: {  	[tilespmem:s13+$0x14750] =	vst.add.f32.msk $0xffff, v38  }
0x338: {  	[tilespmem:s13+$0x14760] =	vst.add.f32.msk $0xffff, v39  }
0x339: {  	[tilespmem:s13+$0x14770] =	vst.add.f32.msk $0xffff, v40  }
0x33a: {  	[tilespmem:s13+$0x14780] =	vst.add.f32.msk $0xffff, v41  }
0x33b: {  	[tilespmem:s13+$0x14790] =	vst.add.f32.msk $0xffff, v42  }
0x33c: {  	[tilespmem:s13+$0x147A0] =	vst.add.f32.msk $0xffff, v43  }
0x33d: {  	[tilespmem:s13+$0x147B0] =	vst.add.f32.msk $0xffff, v44  }
0x33e: {  	[tilespmem:s13+$0x147C0] =	vst.add.f32.msk $0xffff, v45  }
0x33f: {  	[tilespmem:s13+$0x147D0] =	vst.add.f32.msk $0xffff, v46  }
0x340: {  	[tilespmem:s13+$0x147E0] =	vst.add.f32.msk $0xffff, v47  }
0x341: {  	[tilespmem:s13+$0x147F0] =	vst.add.f32.msk $0xffff, v48  }
0x342: {  	[tilespmem:s13+$0x14800] =	vst.add.f32.msk $0xffff, v49  }
0x343: {  	[tilespmem:s13+$0x14810] =	vst.add.f32.msk $0xffff, v50  }
0x344: {  	[tilespmem:s13+$0x14820] =	vst.add.f32.msk $0xffff, v51  }
0x345: {  	[tilespmem:s13+$0x14830] =	vst.add.f32.msk $0xffff, v52  }
0x346: {  	[tilespmem:s13+$0x14840] =	vst.add.f32.msk $0xffff, v53  }
0x347: {  	[tilespmem:s13+$0x14850] =	vst.add.f32.msk $0xffff, v54  }
0x348: {  	[tilespmem:s13+$0x14860] =	vst.add.f32.msk $0xffff, v55  }
0x349: {  	[tilespmem:s13+$0x14870] =	vst.add.f32.msk $0xffff, v56  }
0x34a: {  	[tilespmem:s13+$0x14880] =	vst.add.f32.msk $0xffff, v57  }
.Ltmp2:
0x34b: {  	[tilespmem:s13+$0x14890] =	vst.add.f32.msk $0xffff, v58;
	(pc) =	sbr.rel @p0 .LBB2_7-.Ltmp2, $4  }
0x34c: {  	[tilespmem:s13+$0x148A0] =	vst.add.f32.msk $0xffff, v59  }
0x34d: {  	[tilespmem:s13+$0x148B0] =	vst.add.f32.msk $0xffff, v60  }
0x34e: {  	[tilespmem:s13+$0x148C0] =	vst.add.f32.msk $0xffff, v61  }
0x34f: {  	s12 =	sadd.s32 $0x1000, s12;
	[tilespmem:s13+$0x148D0] =	vst.add.f32.msk $0xffff, v62  }
0x350: {  	s2 =	sadd.s32 s6, s11  }
0x351: {  	s2 =	sshll.u32 s2, $0x4  }
0x352: {  	[tilespmem:s13+$0x148E0] =	vst.add.f32.msk $0xffff, v0;
	s2 =	sadd.s32 s4, s2  }
0x353: {  	[hbm4b:s2+s5] =	stream.linear.scatter [tilespmem:s3], [sflag:$0x6], $0x6400, $0x38;
	[tilespmem:$0x1A900] =	vst v63  }
0x354: {  	_ =	swait.ge [sflag:s30], $0x6400  }
0x355: {  	[sflag:s30] =	ssyncset.done $0x0  }
0x356: {  	s13 =	sadd.s32 $0x6720, s10;
	s9 =	sadd.s32 $0x1, s9;
	[sflag:s30] =	ssyncadd.s32 $0xFFFF9C00  }
0x357: {  	[tilespmem:s24], [sflag:$0x2] =	stream.indirect.gather [hbm4b:s1+s14], $0x80, s13, s14, $0xb8;
	[tilespmem:$0x1A900] =	vst v63  }
0x358: {  	s11 =	sadd.s32 $0x6758, s10;
	p0 =	sne.s32 s9, $0xA  }
0x359: {  	[tilespmem:s26], [sflag:$0x2] =	stream.indirect.gather [hbm4b:s1+s16], $0x80, s11, s16, $0xb8;
	[tilespmem:$0x1A900] =	vst v63  }
.Ltmp3:
0x35a: {  	_ = 	snop;
	(pc) =	sbr.rel @p0 .LBB2_2-.Ltmp3, $4  }
0x35b: {  	s12 =	sadd.s32 $0x6788, s10  }
0x35c: {  	[tilespmem:s29], [sflag:$0x2] =	stream.indirect.gather [hbm4b:s1+s16], $0x80, s12, s16, $0xb8;
	[tilespmem:$0x1A900] =	vst v63  }
0x35d: {  	s13 =	sadd.s32 $0x67B8, s10  }
0x35e: {  	[tilespmem:s31], [sflag:$0x2] =	stream.indirect.gather [hbm4b:s1+s16], $0x80, s13, s16, $0xb8;
	[tilespmem:$0x1A900] =	vst v63  }
0x35f: {  	_ =	swait.ge [sflag:s0], $0x6400  }
0x360: {  	[sflag:s0] =	ssyncset.done $0x0  }
0x361: {  	s9 =	simm.s32 $0x0;
	[sflag:s0] =	ssyncadd.s32 $0xFFFF9C00  }
0x362: {  	v0 =	vld [tilespmem:s9+$0x3F0]  }
0x363: {  	v1 =	vld [tilespmem:s9+$0x0]  }
0x364: {  	v2 =	vld [tilespmem:s9+$0x10]  }
0x365: {  	v3 =	vld [tilespmem:s9+$0x20]  }
0x366: {  	v4 =	vld [tilespmem:s9+$0x30]  }
0x367: {  	v5 =	vld [tilespmem:s9+$0x40]  }
0x368: {  	v6 =	vld [tilespmem:s9+$0x50]  }
0x369: {  	v7 =	vld [tilespmem:s9+$0x60]  }
0x36a: {  	v8 =	vld [tilespmem:s9+$0x70]  }
0x36b: {  	v9 =	vld [tilespmem:s9+$0x80]  }
0x36c: {  	v10 =	vld [tilespmem:s9+$0x90]  }
0x36d: {  	v11 =	vld [tilespmem:s9+$0xA0]  }
0x36e: {  	v12 =	vld [tilespmem:s9+$0xB0]  }
0x36f: {  	v13 =	vld [tilespmem:s9+$0xC0]  }
0x370: {  	v14 =	vld [tilespmem:s9+$0xD0]  }
0x371: {  	v15 =	vld [tilespmem:s9+$0xE0]  }
0x372: {  	v16 =	vld [tilespmem:s9+$0xF0]  }
0x373: {  	v17 =	vld [tilespmem:s9+$0x100]  }
0x374: {  	v18 =	vld [tilespmem:s9+$0x110]  }
0x375: {  	v19 =	vld [tilespmem:s9+$0x120]  }
0x376: {  	v20 =	vld [tilespmem:s9+$0x130]  }
0x377: {  	v21 =	vld [tilespmem:s9+$0x140]  }
0x378: {  	v22 =	vld [tilespmem:s9+$0x150]  }
0x379: {  	v23 =	vld [tilespmem:s9+$0x160]  }
0x37a: {  	v24 =	vld [tilespmem:s9+$0x170]  }
0x37b: {  	v25 =	vld [tilespmem:s9+$0x180]  }
0x37c: {  	v26 =	vld [tilespmem:s9+$0x190]  }
0x37d: {  	v27 =	vld [tilespmem:s9+$0x1A0]  }
0x37e: {  	v28 =	vld [tilespmem:s9+$0x1B0]  }
0x37f: {  	v29 =	vld [tilespmem:s9+$0x1C0]  }
0x380: {  	v30 =	vld [tilespmem:s9+$0x1D0]  }
0x381: {  	v31 =	vld [tilespmem:s9+$0x1E0]  }
0x382: {  	v32 =	vld [tilespmem:s9+$0x1F0]  }
0x383: {  	v33 =	vld [tilespmem:s9+$0x200]  }
0x384: {  	v34 =	vld [tilespmem:s9+$0x210]  }
0x385: {  	v35 =	vld [tilespmem:s9+$0x220]  }
0x386: {  	v36 =	vld [tilespmem:s9+$0x230]  }
0x387: {  	v37 =	vld [tilespmem:s9+$0x240]  }
0x388: {  	v38 =	vld [tilespmem:s9+$0x250]  }
0x389: {  	v39 =	vld [tilespmem:s9+$0x260]  }
0x38a: {  	v40 =	vld [tilespmem:s9+$0x270]  }
0x38b: {  	v41 =	vld [tilespmem:s9+$0x280]  }
0x38c: {  	v42 =	vld [tilespmem:s9+$0x290]  }
0x38d: {  	v43 =	vld [tilespmem:s9+$0x2A0]  }
0x38e: {  	v44 =	vld [tilespmem:s9+$0x2B0]  }
0x38f: {  	v45 =	vld [tilespmem:s9+$0x2C0]  }
0x390: {  	v46 =	vld [tilespmem:s9+$0x2D0]  }
0x391: {  	v47 =	vld [tilespmem:s9+$0x2E0]  }
0x392: {  	v48 =	vld [tilespmem:s9+$0x2F0]  }
0x393: {  	v49 =	vld [tilespmem:s9+$0x300]  }
0x394: {  	v50 =	vld [tilespmem:s9+$0x310]  }
0x395: {  	v51 =	vld [tilespmem:s9+$0x320]  }
0x396: {  	v52 =	vld [tilespmem:s9+$0x330]  }
0x397: {  	v53 =	vld [tilespmem:s9+$0x340]  }
0x398: {  	v54 =	vld [tilespmem:s9+$0x350]  }
0x399: {  	v55 =	vld [tilespmem:s9+$0x360]  }
0x39a: {  	v56 =	vld [tilespmem:s9+$0x370]  }
0x39b: {  	v57 =	vld [tilespmem:s9+$0x380]  }
0x39c: {  	v58 =	vld [tilespmem:s9+$0x390]  }
0x39d: {  	v59 =	vld [tilespmem:s9+$0x3A0]  }
0x39e: {  	v60 =	vld [tilespmem:s9+$0x3B0]  }
0x39f: {  	v61 =	vld [tilespmem:s9+$0x3C0]  }
0x3a0: {  	v62 =	vld [tilespmem:s9+$0x3D0]  }
0x3a1: {  	[tilespmem:s9+$0x80F0] =	vst.add.f32.msk $0xffff, v0  }
0x3a2: {  	v0 =	vld [tilespmem:s9+$0x3E0]  }
0x3a3: {  	[tilespmem:s9+$0x7D00] =	vst.add.f32.msk $0xffff, v1  }
0x3a4: {  	[tilespmem:s9+$0x7D10] =	vst.add.f32.msk $0xffff, v2  }
0x3a5: {  	[tilespmem:s9+$0x7D20] =	vst.add.f32.msk $0xffff, v3  }
0x3a6: {  	[tilespmem:s9+$0x7D30] =	vst.add.f32.msk $0xffff, v4  }
0x3a7: {  	[tilespmem:s9+$0x7D40] =	vst.add.f32.msk $0xffff, v5  }
0x3a8: {  	[tilespmem:s9+$0x7D50] =	vst.add.f32.msk $0xffff, v6  }
0x3a9: {  	[tilespmem:s9+$0x7D60] =	vst.add.f32.msk $0xffff, v7  }
0x3aa: {  	[tilespmem:s9+$0x7D70] =	vst.add.f32.msk $0xffff, v8  }
0x3ab: {  	[tilespmem:s9+$0x7D80] =	vst.add.f32.msk $0xffff, v9  }
0x3ac: {  	[tilespmem:s9+$0x7D90] =	vst.add.f32.msk $0xffff, v10  }
0x3ad: {  	[tilespmem:s9+$0x7DA0] =	vst.add.f32.msk $0xffff, v11  }
0x3ae: {  	[tilespmem:s9+$0x7DB0] =	vst.add.f32.msk $0xffff, v12  }
0x3af: {  	[tilespmem:s9+$0x7DC0] =	vst.add.f32.msk $0xffff, v13  }
0x3b0: {  	[tilespmem:s9+$0x7DD0] =	vst.add.f32.msk $0xffff, v14  }
0x3b1: {  	[tilespmem:s9+$0x7DE0] =	vst.add.f32.msk $0xffff, v15  }
0x3b2: {  	[tilespmem:s9+$0x7DF0] =	vst.add.f32.msk $0xffff, v16  }
0x3b3: {  	[tilespmem:s9+$0x7E00] =	vst.add.f32.msk $0xffff, v17  }
0x3b4: {  	[tilespmem:s9+$0x7E10] =	vst.add.f32.msk $0xffff, v18  }
0x3b5: {  	[tilespmem:s9+$0x7E20] =	vst.add.f32.msk $0xffff, v19  }
0x3b6: {  	[tilespmem:s9+$0x7E30] =	vst.add.f32.msk $0xffff, v20  }
0x3b7: {  	[tilespmem:s9+$0x7E40] =	vst.add.f32.msk $0xffff, v21  }
0x3b8: {  	[tilespmem:s9+$0x7E50] =	vst.add.f32.msk $0xffff, v22  }
0x3b9: {  	[tilespmem:s9+$0x7E60] =	vst.add.f32.msk $0xffff, v23  }
0x3ba: {  	[tilespmem:s9+$0x7E70] =	vst.add.f32.msk $0xffff, v24  }
0x3bb: {  	[tilespmem:s9+$0x7E80] =	vst.add.f32.msk $0xffff, v25  }
0x3bc: {  	[tilespmem:s9+$0x7E90] =	vst.add.f32.msk $0xffff, v26  }
0x3bd: {  	[tilespmem:s9+$0x7EA0] =	vst.add.f32.msk $0xffff, v27  }
0x3be: {  	[tilespmem:s9+$0x7EB0] =	vst.add.f32.msk $0xffff, v28  }
0x3bf: {  	[tilespmem:s9+$0x7EC0] =	vst.add.f32.msk $0xffff, v29  }
0x3c0: {  	[tilespmem:s9+$0x7ED0] =	vst.add.f32.msk $0xffff, v30  }
0x3c1: {  	[tilespmem:s9+$0x7EE0] =	vst.add.f32.msk $0xffff, v31  }
0x3c2: {  	[tilespmem:s9+$0x7EF0] =	vst.add.f32.msk $0xffff, v32  }
0x3c3: {  	[tilespmem:s9+$0x7F00] =	vst.add.f32.msk $0xffff, v33  }
0x3c4: {  	[tilespmem:s9+$0x7F10] =	vst.add.f32.msk $0xffff, v34  }
0x3c5: {  	[tilespmem:s9+$0x7F20] =	vst.add.f32.msk $0xffff, v35  }
0x3c6: {  	[tilespmem:s9+$0x7F30] =	vst.add.f32.msk $0xffff, v36  }
0x3c7: {  	[tilespmem:s9+$0x7F40] =	vst.add.f32.msk $0xffff, v37  }
0x3c8: {  	[tilespmem:s9+$0x7F50] =	vst.add.f32.msk $0xffff, v38  }
0x3c9: {  	[tilespmem:s9+$0x7F60] =	vst.add.f32.msk $0xffff, v39  }
0x3ca: {  	[tilespmem:s9+$0x7F70] =	vst.add.f32.msk $0xffff, v40  }
0x3cb: {  	[tilespmem:s9+$0x7F80] =	vst.add.f32.msk $0xffff, v41  }
0x3cc: {  	[tilespmem:s9+$0x7F90] =	vst.add.f32.msk $0xffff, v42  }
0x3cd: {  	[tilespmem:s9+$0x7FA0] =	vst.add.f32.msk $0xffff, v43  }
0x3ce: {  	[tilespmem:s9+$0x7FB0] =	vst.add.f32.msk $0xffff, v44  }
0x3cf: {  	[tilespmem:s9+$0x7FC0] =	vst.add.f32.msk $0xffff, v45  }
0x3d0: {  	[tilespmem:s9+$0x7FD0] =	vst.add.f32.msk $0xffff, v46  }
0x3d1: {  	[tilespmem:s9+$0x7FE0] =	vst.add.f32.msk $0xffff, v47  }
0x3d2: {  	[tilespmem:s9+$0x7FF0] =	vst.add.f32.msk $0xffff, v48  }
0x3d3: {  	[tilespmem:s9+$0x8000] =	vst.add.f32.msk $0xffff, v49  }
0x3d4: {  	[tilespmem:s9+$0x8010] =	vst.add.f32.msk $0xffff, v50  }
0x3d5: {  	[tilespmem:s9+$0x8020] =	vst.add.f32.msk $0xffff, v51  }
0x3d6: {  	[tilespmem:s9+$0x8030] =	vst.add.f32.msk $0xffff, v52  }
0x3d7: {  	[tilespmem:s9+$0x8040] =	vst.add.f32.msk $0xffff, v53  }
0x3d8: {  	[tilespmem:s9+$0x8050] =	vst.add.f32.msk $0xffff, v54  }
0x3d9: {  	[tilespmem:s9+$0x8060] =	vst.add.f32.msk $0xffff, v55  }
0x3da: {  	[tilespmem:s9+$0x8070] =	vst.add.f32.msk $0xffff, v56  }
0x3db: {  	[tilespmem:s9+$0x8080] =	vst.add.f32.msk $0xffff, v57  }
0x3dc: {  	[tilespmem:s9+$0x8090] =	vst.add.f32.msk $0xffff, v58  }
0x3dd: {  	[tilespmem:s9+$0x80A0] =	vst.add.f32.msk $0xffff, v59  }
0x3de: {  	[tilespmem:s9+$0x80B0] =	vst.add.f32.msk $0xffff, v60  }
0x3df: {  	[tilespmem:s9+$0x80C0] =	vst.add.f32.msk $0xffff, v61  }
0x3e0: {  	s2 =	simm.s32 $0x0;
	s10 =	simm.s32 $0x1000;
	[tilespmem:s9+$0x80D0] =	vst.add.f32.msk $0xffff, v62  }
.LBB2_10:
0x3e1: {  	s2 =	sadd.s32 $0x8, s2;
	[tilespmem:s9+$0x80E0] =	vst.add.f32.msk $0xffff, v0;
	s9 =	sshra.s32 s10, $0x2  }
0x3e2: {  	v0 =	vld [tilespmem:s9+$0x3F0];
	p0 =	slt.u32 s2, $0xC0  }
0x3e3: {  	v1 =	vld [tilespmem:s9+$0x0]  }
0x3e4: {  	v2 =	vld [tilespmem:s9+$0x10]  }
0x3e5: {  	v3 =	vld [tilespmem:s9+$0x20]  }
0x3e6: {  	v4 =	vld [tilespmem:s9+$0x30]  }
0x3e7: {  	[tilespmem:s9+$0x80F0] =	vst.add.f32.msk $0xffff, v0  }
0x3e8: {  	v5 =	vld [tilespmem:s9+$0x40]  }
0x3e9: {  	v6 =	vld [tilespmem:s9+$0x50]  }
0x3ea: {  	v7 =	vld [tilespmem:s9+$0x60]  }
0x3eb: {  	v8 =	vld [tilespmem:s9+$0x70]  }
0x3ec: {  	v9 =	vld [tilespmem:s9+$0x80]  }
0x3ed: {  	v10 =	vld [tilespmem:s9+$0x90]  }
0x3ee: {  	v11 =	vld [tilespmem:s9+$0xA0]  }
0x3ef: {  	v12 =	vld [tilespmem:s9+$0xB0]  }
0x3f0: {  	v13 =	vld [tilespmem:s9+$0xC0]  }
0x3f1: {  	v14 =	vld [tilespmem:s9+$0xD0]  }
0x3f2: {  	v15 =	vld [tilespmem:s9+$0xE0]  }
0x3f3: {  	v16 =	vld [tilespmem:s9+$0xF0]  }
0x3f4: {  	v17 =	vld [tilespmem:s9+$0x100]  }
0x3f5: {  	v18 =	vld [tilespmem:s9+$0x110]  }
0x3f6: {  	v19 =	vld [tilespmem:s9+$0x120]  }
0x3f7: {  	v20 =	vld [tilespmem:s9+$0x130]  }
0x3f8: {  	v21 =	vld [tilespmem:s9+$0x140]  }
0x3f9: {  	v22 =	vld [tilespmem:s9+$0x150]  }
0x3fa: {  	v23 =	vld [tilespmem:s9+$0x160]  }
0x3fb: {  	v24 =	vld [tilespmem:s9+$0x170]  }
0x3fc: {  	v25 =	vld [tilespmem:s9+$0x180]  }
0x3fd: {  	v26 =	vld [tilespmem:s9+$0x190]  }
0x3fe: {  	v27 =	vld [tilespmem:s9+$0x1A0]  }
0x3ff: {  	v28 =	vld [tilespmem:s9+$0x1B0]  }
0x400: {  	v29 =	vld [tilespmem:s9+$0x1C0]  }
0x401: {  	v30 =	vld [tilespmem:s9+$0x1D0]  }
0x402: {  	v31 =	vld [tilespmem:s9+$0x1E0]  }
0x403: {  	v32 =	vld [tilespmem:s9+$0x1F0]  }
0x404: {  	v33 =	vld [tilespmem:s9+$0x200]  }
0x405: {  	v34 =	vld [tilespmem:s9+$0x210]  }
0x406: {  	v35 =	vld [tilespmem:s9+$0x220]  }
0x407: {  	v36 =	vld [tilespmem:s9+$0x230]  }
0x408: {  	v37 =	vld [tilespmem:s9+$0x240]  }
0x409: {  	v38 =	vld [tilespmem:s9+$0x250]  }
0x40a: {  	v39 =	vld [tilespmem:s9+$0x260]  }
0x40b: {  	v40 =	vld [tilespmem:s9+$0x270]  }
0x40c: {  	v41 =	vld [tilespmem:s9+$0x280]  }
0x40d: {  	v42 =	vld [tilespmem:s9+$0x290]  }
0x40e: {  	v43 =	vld [tilespmem:s9+$0x2A0]  }
0x40f: {  	v44 =	vld [tilespmem:s9+$0x2B0]  }
0x410: {  	v45 =	vld [tilespmem:s9+$0x2C0]  }
0x411: {  	v46 =	vld [tilespmem:s9+$0x2D0]  }
0x412: {  	v47 =	vld [tilespmem:s9+$0x2E0]  }
0x413: {  	v48 =	vld [tilespmem:s9+$0x2F0]  }
0x414: {  	v49 =	vld [tilespmem:s9+$0x300]  }
0x415: {  	v50 =	vld [tilespmem:s9+$0x310]  }
0x416: {  	v51 =	vld [tilespmem:s9+$0x320]  }
0x417: {  	v52 =	vld [tilespmem:s9+$0x330]  }
0x418: {  	v53 =	vld [tilespmem:s9+$0x340]  }
0x419: {  	v54 =	vld [tilespmem:s9+$0x350]  }
0x41a: {  	v55 =	vld [tilespmem:s9+$0x360]  }
0x41b: {  	v56 =	vld [tilespmem:s9+$0x370]  }
0x41c: {  	v57 =	vld [tilespmem:s9+$0x380]  }
0x41d: {  	v58 =	vld [tilespmem:s9+$0x390]  }
0x41e: {  	v59 =	vld [tilespmem:s9+$0x3A0]  }
0x41f: {  	v60 =	vld [tilespmem:s9+$0x3B0]  }
0x420: {  	v61 =	vld [tilespmem:s9+$0x3C0]  }
0x421: {  	v62 =	vld [tilespmem:s9+$0x3D0]  }
0x422: {  	v0 =	vld [tilespmem:s9+$0x3E0]  }
0x423: {  	[tilespmem:s9+$0x7D00] =	vst.add.f32.msk $0xffff, v1  }
0x424: {  	[tilespmem:s9+$0x7D10] =	vst.add.f32.msk $0xffff, v2  }
0x425: {  	[tilespmem:s9+$0x7D20] =	vst.add.f32.msk $0xffff, v3  }
0x426: {  	[tilespmem:s9+$0x7D30] =	vst.add.f32.msk $0xffff, v4  }
0x427: {  	[tilespmem:s9+$0x7D40] =	vst.add.f32.msk $0xffff, v5  }
0x428: {  	[tilespmem:s9+$0x7D50] =	vst.add.f32.msk $0xffff, v6  }
0x429: {  	[tilespmem:s9+$0x7D60] =	vst.add.f32.msk $0xffff, v7  }
0x42a: {  	[tilespmem:s9+$0x7D70] =	vst.add.f32.msk $0xffff, v8  }
0x42b: {  	[tilespmem:s9+$0x7D80] =	vst.add.f32.msk $0xffff, v9  }
0x42c: {  	[tilespmem:s9+$0x7D90] =	vst.add.f32.msk $0xffff, v10  }
0x42d: {  	[tilespmem:s9+$0x7DA0] =	vst.add.f32.msk $0xffff, v11  }
0x42e: {  	[tilespmem:s9+$0x7DB0] =	vst.add.f32.msk $0xffff, v12  }
0x42f: {  	[tilespmem:s9+$0x7DC0] =	vst.add.f32.msk $0xffff, v13  }
0x430: {  	[tilespmem:s9+$0x7DD0] =	vst.add.f32.msk $0xffff, v14  }
0x431: {  	[tilespmem:s9+$0x7DE0] =	vst.add.f32.msk $0xffff, v15  }
0x432: {  	[tilespmem:s9+$0x7DF0] =	vst.add.f32.msk $0xffff, v16  }
0x433: {  	[tilespmem:s9+$0x7E00] =	vst.add.f32.msk $0xffff, v17  }
0x434: {  	[tilespmem:s9+$0x7E10] =	vst.add.f32.msk $0xffff, v18  }
0x435: {  	[tilespmem:s9+$0x7E20] =	vst.add.f32.msk $0xffff, v19  }
0x436: {  	[tilespmem:s9+$0x7E30] =	vst.add.f32.msk $0xffff, v20  }
0x437: {  	[tilespmem:s9+$0x7E40] =	vst.add.f32.msk $0xffff, v21  }
0x438: {  	[tilespmem:s9+$0x7E50] =	vst.add.f32.msk $0xffff, v22  }
0x439: {  	[tilespmem:s9+$0x7E60] =	vst.add.f32.msk $0xffff, v23  }
0x43a: {  	[tilespmem:s9+$0x7E70] =	vst.add.f32.msk $0xffff, v24  }
0x43b: {  	[tilespmem:s9+$0x7E80] =	vst.add.f32.msk $0xffff, v25  }
0x43c: {  	[tilespmem:s9+$0x7E90] =	vst.add.f32.msk $0xffff, v26  }
0x43d: {  	[tilespmem:s9+$0x7EA0] =	vst.add.f32.msk $0xffff, v27  }
0x43e: {  	[tilespmem:s9+$0x7EB0] =	vst.add.f32.msk $0xffff, v28  }
0x43f: {  	[tilespmem:s9+$0x7EC0] =	vst.add.f32.msk $0xffff, v29  }
0x440: {  	[tilespmem:s9+$0x7ED0] =	vst.add.f32.msk $0xffff, v30  }
0x441: {  	[tilespmem:s9+$0x7EE0] =	vst.add.f32.msk $0xffff, v31  }
0x442: {  	[tilespmem:s9+$0x7EF0] =	vst.add.f32.msk $0xffff, v32  }
0x443: {  	[tilespmem:s9+$0x7F00] =	vst.add.f32.msk $0xffff, v33  }
0x444: {  	[tilespmem:s9+$0x7F10] =	vst.add.f32.msk $0xffff, v34  }
0x445: {  	[tilespmem:s9+$0x7F20] =	vst.add.f32.msk $0xffff, v35  }
0x446: {  	[tilespmem:s9+$0x7F30] =	vst.add.f32.msk $0xffff, v36  }
0x447: {  	[tilespmem:s9+$0x7F40] =	vst.add.f32.msk $0xffff, v37  }
0x448: {  	[tilespmem:s9+$0x7F50] =	vst.add.f32.msk $0xffff, v38  }
0x449: {  	[tilespmem:s9+$0x7F60] =	vst.add.f32.msk $0xffff, v39  }
0x44a: {  	[tilespmem:s9+$0x7F70] =	vst.add.f32.msk $0xffff, v40  }
0x44b: {  	[tilespmem:s9+$0x7F80] =	vst.add.f32.msk $0xffff, v41  }
0x44c: {  	[tilespmem:s9+$0x7F90] =	vst.add.f32.msk $0xffff, v42  }
0x44d: {  	[tilespmem:s9+$0x7FA0] =	vst.add.f32.msk $0xffff, v43  }
0x44e: {  	[tilespmem:s9+$0x7FB0] =	vst.add.f32.msk $0xffff, v44  }
0x44f: {  	[tilespmem:s9+$0x7FC0] =	vst.add.f32.msk $0xffff, v45  }
0x450: {  	[tilespmem:s9+$0x7FD0] =	vst.add.f32.msk $0xffff, v46  }
0x451: {  	[tilespmem:s9+$0x7FE0] =	vst.add.f32.msk $0xffff, v47  }
0x452: {  	[tilespmem:s9+$0x7FF0] =	vst.add.f32.msk $0xffff, v48  }
0x453: {  	[tilespmem:s9+$0x8000] =	vst.add.f32.msk $0xffff, v49  }
0x454: {  	[tilespmem:s9+$0x8010] =	vst.add.f32.msk $0xffff, v50  }
0x455: {  	[tilespmem:s9+$0x8020] =	vst.add.f32.msk $0xffff, v51  }
0x456: {  	[tilespmem:s9+$0x8030] =	vst.add.f32.msk $0xffff, v52  }
0x457: {  	[tilespmem:s9+$0x8040] =	vst.add.f32.msk $0xffff, v53  }
0x458: {  	[tilespmem:s9+$0x8050] =	vst.add.f32.msk $0xffff, v54  }
0x459: {  	[tilespmem:s9+$0x8060] =	vst.add.f32.msk $0xffff, v55  }
0x45a: {  	[tilespmem:s9+$0x8070] =	vst.add.f32.msk $0xffff, v56  }
0x45b: {  	[tilespmem:s9+$0x8080] =	vst.add.f32.msk $0xffff, v57  }
.Ltmp4:
0x45c: {  	[tilespmem:s9+$0x8090] =	vst.add.f32.msk $0xffff, v58;
	(pc) =	sbr.rel @p0 .LBB2_10-.Ltmp4, $4  }
0x45d: {  	[tilespmem:s9+$0x80A0] =	vst.add.f32.msk $0xffff, v59  }
0x45e: {  	[tilespmem:s9+$0x80B0] =	vst.add.f32.msk $0xffff, v60  }
0x45f: {  	[tilespmem:s9+$0x80C0] =	vst.add.f32.msk $0xffff, v61  }
0x460: {  	s10 =	sadd.s32 $0x1000, s10;
	[tilespmem:s9+$0x80D0] =	vst.add.f32.msk $0xffff, v62  }
0x461: {  	[tilespmem:s9+$0x80E0] =	vst.add.f32.msk $0xffff, v0  }
0x462: {  	s2 =	simm.s32 $0x0;
	s9 =	rddreg [dreg:$0x6]  }
0x463: {  	[hbm4b:s9+s2] =	stream.linear.scatter [tilespmem:s15], [sflag:$0x4], $0x6400, $0x38;
	[tilespmem:$0x1A900] =	vst v63  }
0x464: {  	_ =	swait.ge [sflag:s23], $0x6400  }
0x465: {  	[sflag:s23] =	ssyncset.done $0x0  }
0x466: {  	s9 =	simm.s32 $0x0;
	[sflag:s23] =	ssyncadd.s32 $0xFFFF9C00  }
0x467: {  	v0 =	vld [tilespmem:s9+$0x3F0]  }
0x468: {  	v1 =	vld [tilespmem:s9+$0x0]  }
0x469: {  	v2 =	vld [tilespmem:s9+$0x10]  }
0x46a: {  	v3 =	vld [tilespmem:s9+$0x20]  }
0x46b: {  	v4 =	vld [tilespmem:s9+$0x30]  }
0x46c: {  	v5 =	vld [tilespmem:s9+$0x40]  }
0x46d: {  	v6 =	vld [tilespmem:s9+$0x50]  }
0x46e: {  	v7 =	vld [tilespmem:s9+$0x60]  }
0x46f: {  	v8 =	vld [tilespmem:s9+$0x70]  }
0x470: {  	v9 =	vld [tilespmem:s9+$0x80]  }
0x471: {  	v10 =	vld [tilespmem:s9+$0x90]  }
0x472: {  	v11 =	vld [tilespmem:s9+$0xA0]  }
0x473: {  	v12 =	vld [tilespmem:s9+$0xB0]  }
0x474: {  	v13 =	vld [tilespmem:s9+$0xC0]  }
0x475: {  	v14 =	vld [tilespmem:s9+$0xD0]  }
0x476: {  	v15 =	vld [tilespmem:s9+$0xE0]  }
0x477: {  	v16 =	vld [tilespmem:s9+$0xF0]  }
0x478: {  	v17 =	vld [tilespmem:s9+$0x100]  }
0x479: {  	v18 =	vld [tilespmem:s9+$0x110]  }
0x47a: {  	v19 =	vld [tilespmem:s9+$0x120]  }
0x47b: {  	v20 =	vld [tilespmem:s9+$0x130]  }
0x47c: {  	v21 =	vld [tilespmem:s9+$0x140]  }
0x47d: {  	v22 =	vld [tilespmem:s9+$0x150]  }
0x47e: {  	v23 =	vld [tilespmem:s9+$0x160]  }
0x47f: {  	v24 =	vld [tilespmem:s9+$0x170]  }
0x480: {  	v25 =	vld [tilespmem:s9+$0x180]  }
0x481: {  	v26 =	vld [tilespmem:s9+$0x190]  }
0x482: {  	v27 =	vld [tilespmem:s9+$0x1A0]  }
0x483: {  	v28 =	vld [tilespmem:s9+$0x1B0]  }
0x484: {  	v29 =	vld [tilespmem:s9+$0x1C0]  }
0x485: {  	v30 =	vld [tilespmem:s9+$0x1D0]  }
0x486: {  	v31 =	vld [tilespmem:s9+$0x1E0]  }
0x487: {  	v32 =	vld [tilespmem:s9+$0x1F0]  }
0x488: {  	v33 =	vld [tilespmem:s9+$0x200]  }
0x489: {  	v34 =	vld [tilespmem:s9+$0x210]  }
0x48a: {  	v35 =	vld [tilespmem:s9+$0x220]  }
0x48b: {  	v36 =	vld [tilespmem:s9+$0x230]  }
0x48c: {  	v37 =	vld [tilespmem:s9+$0x240]  }
0x48d: {  	v38 =	vld [tilespmem:s9+$0x250]  }
0x48e: {  	v39 =	vld [tilespmem:s9+$0x260]  }
0x48f: {  	v40 =	vld [tilespmem:s9+$0x270]  }
0x490: {  	v41 =	vld [tilespmem:s9+$0x280]  }
0x491: {  	v42 =	vld [tilespmem:s9+$0x290]  }
0x492: {  	v43 =	vld [tilespmem:s9+$0x2A0]  }
0x493: {  	v44 =	vld [tilespmem:s9+$0x2B0]  }
0x494: {  	v45 =	vld [tilespmem:s9+$0x2C0]  }
0x495: {  	v46 =	vld [tilespmem:s9+$0x2D0]  }
0x496: {  	v47 =	vld [tilespmem:s9+$0x2E0]  }
0x497: {  	v48 =	vld [tilespmem:s9+$0x2F0]  }
0x498: {  	v49 =	vld [tilespmem:s9+$0x300]  }
0x499: {  	v50 =	vld [tilespmem:s9+$0x310]  }
0x49a: {  	v51 =	vld [tilespmem:s9+$0x320]  }
0x49b: {  	v52 =	vld [tilespmem:s9+$0x330]  }
0x49c: {  	v53 =	vld [tilespmem:s9+$0x340]  }
0x49d: {  	v54 =	vld [tilespmem:s9+$0x350]  }
0x49e: {  	v55 =	vld [tilespmem:s9+$0x360]  }
0x49f: {  	v56 =	vld [tilespmem:s9+$0x370]  }
0x4a0: {  	v57 =	vld [tilespmem:s9+$0x380]  }
0x4a1: {  	v58 =	vld [tilespmem:s9+$0x390]  }
0x4a2: {  	v59 =	vld [tilespmem:s9+$0x3A0]  }
0x4a3: {  	v60 =	vld [tilespmem:s9+$0x3B0]  }
0x4a4: {  	v61 =	vld [tilespmem:s9+$0x3C0]  }
0x4a5: {  	v62 =	vld [tilespmem:s9+$0x3D0]  }
0x4a6: {  	[tilespmem:s9+$0xE4F0] =	vst.add.f32.msk $0xffff, v0  }
0x4a7: {  	v0 =	vld [tilespmem:s9+$0x3E0]  }
0x4a8: {  	[tilespmem:s9+$0xE100] =	vst.add.f32.msk $0xffff, v1  }
0x4a9: {  	[tilespmem:s9+$0xE110] =	vst.add.f32.msk $0xffff, v2  }
0x4aa: {  	[tilespmem:s9+$0xE120] =	vst.add.f32.msk $0xffff, v3  }
0x4ab: {  	[tilespmem:s9+$0xE130] =	vst.add.f32.msk $0xffff, v4  }
0x4ac: {  	[tilespmem:s9+$0xE140] =	vst.add.f32.msk $0xffff, v5  }
0x4ad: {  	[tilespmem:s9+$0xE150] =	vst.add.f32.msk $0xffff, v6  }
0x4ae: {  	[tilespmem:s9+$0xE160] =	vst.add.f32.msk $0xffff, v7  }
0x4af: {  	[tilespmem:s9+$0xE170] =	vst.add.f32.msk $0xffff, v8  }
0x4b0: {  	[tilespmem:s9+$0xE180] =	vst.add.f32.msk $0xffff, v9  }
0x4b1: {  	[tilespmem:s9+$0xE190] =	vst.add.f32.msk $0xffff, v10  }
0x4b2: {  	[tilespmem:s9+$0xE1A0] =	vst.add.f32.msk $0xffff, v11  }
0x4b3: {  	[tilespmem:s9+$0xE1B0] =	vst.add.f32.msk $0xffff, v12  }
0x4b4: {  	[tilespmem:s9+$0xE1C0] =	vst.add.f32.msk $0xffff, v13  }
0x4b5: {  	[tilespmem:s9+$0xE1D0] =	vst.add.f32.msk $0xffff, v14  }
0x4b6: {  	[tilespmem:s9+$0xE1E0] =	vst.add.f32.msk $0xffff, v15  }
0x4b7: {  	[tilespmem:s9+$0xE1F0] =	vst.add.f32.msk $0xffff, v16  }
0x4b8: {  	[tilespmem:s9+$0xE200] =	vst.add.f32.msk $0xffff, v17  }
0x4b9: {  	[tilespmem:s9+$0xE210] =	vst.add.f32.msk $0xffff, v18  }
0x4ba: {  	[tilespmem:s9+$0xE220] =	vst.add.f32.msk $0xffff, v19  }
0x4bb: {  	[tilespmem:s9+$0xE230] =	vst.add.f32.msk $0xffff, v20  }
0x4bc: {  	[tilespmem:s9+$0xE240] =	vst.add.f32.msk $0xffff, v21  }
0x4bd: {  	[tilespmem:s9+$0xE250] =	vst.add.f32.msk $0xffff, v22  }
0x4be: {  	[tilespmem:s9+$0xE260] =	vst.add.f32.msk $0xffff, v23  }
0x4bf: {  	[tilespmem:s9+$0xE270] =	vst.add.f32.msk $0xffff, v24  }
0x4c0: {  	[tilespmem:s9+$0xE280] =	vst.add.f32.msk $0xffff, v25  }
0x4c1: {  	[tilespmem:s9+$0xE290] =	vst.add.f32.msk $0xffff, v26  }
0x4c2: {  	[tilespmem:s9+$0xE2A0] =	vst.add.f32.msk $0xffff, v27  }
0x4c3: {  	[tilespmem:s9+$0xE2B0] =	vst.add.f32.msk $0xffff, v28  }
0x4c4: {  	[tilespmem:s9+$0xE2C0] =	vst.add.f32.msk $0xffff, v29  }
0x4c5: {  	[tilespmem:s9+$0xE2D0] =	vst.add.f32.msk $0xffff, v30  }
0x4c6: {  	[tilespmem:s9+$0xE2E0] =	vst.add.f32.msk $0xffff, v31  }
0x4c7: {  	[tilespmem:s9+$0xE2F0] =	vst.add.f32.msk $0xffff, v32  }
0x4c8: {  	[tilespmem:s9+$0xE300] =	vst.add.f32.msk $0xffff, v33  }
0x4c9: {  	[tilespmem:s9+$0xE310] =	vst.add.f32.msk $0xffff, v34  }
0x4ca: {  	[tilespmem:s9+$0xE320] =	vst.add.f32.msk $0xffff, v35  }
0x4cb: {  	[tilespmem:s9+$0xE330] =	vst.add.f32.msk $0xffff, v36  }
0x4cc: {  	[tilespmem:s9+$0xE340] =	vst.add.f32.msk $0xffff, v37  }
0x4cd: {  	[tilespmem:s9+$0xE350] =	vst.add.f32.msk $0xffff, v38  }
0x4ce: {  	[tilespmem:s9+$0xE360] =	vst.add.f32.msk $0xffff, v39  }
0x4cf: {  	[tilespmem:s9+$0xE370] =	vst.add.f32.msk $0xffff, v40  }
0x4d0: {  	[tilespmem:s9+$0xE380] =	vst.add.f32.msk $0xffff, v41  }
0x4d1: {  	[tilespmem:s9+$0xE390] =	vst.add.f32.msk $0xffff, v42  }
0x4d2: {  	[tilespmem:s9+$0xE3A0] =	vst.add.f32.msk $0xffff, v43  }
0x4d3: {  	[tilespmem:s9+$0xE3B0] =	vst.add.f32.msk $0xffff, v44  }
0x4d4: {  	[tilespmem:s9+$0xE3C0] =	vst.add.f32.msk $0xffff, v45  }
0x4d5: {  	[tilespmem:s9+$0xE3D0] =	vst.add.f32.msk $0xffff, v46  }
0x4d6: {  	[tilespmem:s9+$0xE3E0] =	vst.add.f32.msk $0xffff, v47  }
0x4d7: {  	[tilespmem:s9+$0xE3F0] =	vst.add.f32.msk $0xffff, v48  }
0x4d8: {  	[tilespmem:s9+$0xE400] =	vst.add.f32.msk $0xffff, v49  }
0x4d9: {  	[tilespmem:s9+$0xE410] =	vst.add.f32.msk $0xffff, v50  }
0x4da: {  	[tilespmem:s9+$0xE420] =	vst.add.f32.msk $0xffff, v51  }
0x4db: {  	[tilespmem:s9+$0xE430] =	vst.add.f32.msk $0xffff, v52  }
0x4dc: {  	[tilespmem:s9+$0xE440] =	vst.add.f32.msk $0xffff, v53  }
0x4dd: {  	[tilespmem:s9+$0xE450] =	vst.add.f32.msk $0xffff, v54  }
0x4de: {  	[tilespmem:s9+$0xE460] =	vst.add.f32.msk $0xffff, v55  }
0x4df: {  	[tilespmem:s9+$0xE470] =	vst.add.f32.msk $0xffff, v56  }
0x4e0: {  	[tilespmem:s9+$0xE480] =	vst.add.f32.msk $0xffff, v57  }
0x4e1: {  	[tilespmem:s9+$0xE490] =	vst.add.f32.msk $0xffff, v58  }
0x4e2: {  	[tilespmem:s9+$0xE4A0] =	vst.add.f32.msk $0xffff, v59  }
0x4e3: {  	[tilespmem:s9+$0xE4B0] =	vst.add.f32.msk $0xffff, v60  }
0x4e4: {  	[tilespmem:s9+$0xE4C0] =	vst.add.f32.msk $0xffff, v61  }
0x4e5: {  	s10 =	simm.s32 $0x1000;
	s2 =	simm.s32 $0x0;
	[tilespmem:s9+$0xE4D0] =	vst.add.f32.msk $0xffff, v62  }
.LBB2_12:
0x4e6: {  	s2 =	sadd.s32 $0x8, s2;
	[tilespmem:s9+$0xE4E0] =	vst.add.f32.msk $0xffff, v0;
	s9 =	sshra.s32 s10, $0x2  }
0x4e7: {  	v0 =	vld [tilespmem:s9+$0x3F0];
	p0 =	slt.u32 s2, $0xC0  }
0x4e8: {  	v1 =	vld [tilespmem:s9+$0x0]  }
0x4e9: {  	v2 =	vld [tilespmem:s9+$0x10]  }
0x4ea: {  	v3 =	vld [tilespmem:s9+$0x20]  }
0x4eb: {  	v4 =	vld [tilespmem:s9+$0x30]  }
0x4ec: {  	[tilespmem:s9+$0xE4F0] =	vst.add.f32.msk $0xffff, v0  }
0x4ed: {  	v5 =	vld [tilespmem:s9+$0x40]  }
0x4ee: {  	v6 =	vld [tilespmem:s9+$0x50]  }
0x4ef: {  	v7 =	vld [tilespmem:s9+$0x60]  }
0x4f0: {  	v8 =	vld [tilespmem:s9+$0x70]  }
0x4f1: {  	v9 =	vld [tilespmem:s9+$0x80]  }
0x4f2: {  	v10 =	vld [tilespmem:s9+$0x90]  }
0x4f3: {  	v11 =	vld [tilespmem:s9+$0xA0]  }
0x4f4: {  	v12 =	vld [tilespmem:s9+$0xB0]  }
0x4f5: {  	v13 =	vld [tilespmem:s9+$0xC0]  }
0x4f6: {  	v14 =	vld [tilespmem:s9+$0xD0]  }
0x4f7: {  	v15 =	vld [tilespmem:s9+$0xE0]  }
0x4f8: {  	v16 =	vld [tilespmem:s9+$0xF0]  }
0x4f9: {  	v17 =	vld [tilespmem:s9+$0x100]  }
0x4fa: {  	v18 =	vld [tilespmem:s9+$0x110]  }
0x4fb: {  	v19 =	vld [tilespmem:s9+$0x120]  }
0x4fc: {  	v20 =	vld [tilespmem:s9+$0x130]  }
0x4fd: {  	v21 =	vld [tilespmem:s9+$0x140]  }
0x4fe: {  	v22 =	vld [tilespmem:s9+$0x150]  }
0x4ff: {  	v23 =	vld [tilespmem:s9+$0x160]  }
0x500: {  	v24 =	vld [tilespmem:s9+$0x170]  }
0x501: {  	v25 =	vld [tilespmem:s9+$0x180]  }
0x502: {  	v26 =	vld [tilespmem:s9+$0x190]  }
0x503: {  	v27 =	vld [tilespmem:s9+$0x1A0]  }
0x504: {  	v28 =	vld [tilespmem:s9+$0x1B0]  }
0x505: {  	v29 =	vld [tilespmem:s9+$0x1C0]  }
0x506: {  	v30 =	vld [tilespmem:s9+$0x1D0]  }
0x507: {  	v31 =	vld [tilespmem:s9+$0x1E0]  }
0x508: {  	v32 =	vld [tilespmem:s9+$0x1F0]  }
0x509: {  	v33 =	vld [tilespmem:s9+$0x200]  }
0x50a: {  	v34 =	vld [tilespmem:s9+$0x210]  }
0x50b: {  	v35 =	vld [tilespmem:s9+$0x220]  }
0x50c: {  	v36 =	vld [tilespmem:s9+$0x230]  }
0x50d: {  	v37 =	vld [tilespmem:s9+$0x240]  }
0x50e: {  	v38 =	vld [tilespmem:s9+$0x250]  }
0x50f: {  	v39 =	vld [tilespmem:s9+$0x260]  }
0x510: {  	v40 =	vld [tilespmem:s9+$0x270]  }
0x511: {  	v41 =	vld [tilespmem:s9+$0x280]  }
0x512: {  	v42 =	vld [tilespmem:s9+$0x290]  }
0x513: {  	v43 =	vld [tilespmem:s9+$0x2A0]  }
0x514: {  	v44 =	vld [tilespmem:s9+$0x2B0]  }
0x515: {  	v45 =	vld [tilespmem:s9+$0x2C0]  }
0x516: {  	v46 =	vld [tilespmem:s9+$0x2D0]  }
0x517: {  	v47 =	vld [tilespmem:s9+$0x2E0]  }
0x518: {  	v48 =	vld [tilespmem:s9+$0x2F0]  }
0x519: {  	v49 =	vld [tilespmem:s9+$0x300]  }
0x51a: {  	v50 =	vld [tilespmem:s9+$0x310]  }
0x51b: {  	v51 =	vld [tilespmem:s9+$0x320]  }
0x51c: {  	v52 =	vld [tilespmem:s9+$0x330]  }
0x51d: {  	v53 =	vld [tilespmem:s9+$0x340]  }
0x51e: {  	v54 =	vld [tilespmem:s9+$0x350]  }
0x51f: {  	v55 =	vld [tilespmem:s9+$0x360]  }
0x520: {  	v56 =	vld [tilespmem:s9+$0x370]  }
0x521: {  	v57 =	vld [tilespmem:s9+$0x380]  }
0x522: {  	v58 =	vld [tilespmem:s9+$0x390]  }
0x523: {  	v59 =	vld [tilespmem:s9+$0x3A0]  }
0x524: {  	v60 =	vld [tilespmem:s9+$0x3B0]  }
0x525: {  	v61 =	vld [tilespmem:s9+$0x3C0]  }
0x526: {  	v62 =	vld [tilespmem:s9+$0x3D0]  }
0x527: {  	v0 =	vld [tilespmem:s9+$0x3E0]  }
0x528: {  	[tilespmem:s9+$0xE100] =	vst.add.f32.msk $0xffff, v1  }
0x529: {  	[tilespmem:s9+$0xE110] =	vst.add.f32.msk $0xffff, v2  }
0x52a: {  	[tilespmem:s9+$0xE120] =	vst.add.f32.msk $0xffff, v3  }
0x52b: {  	[tilespmem:s9+$0xE130] =	vst.add.f32.msk $0xffff, v4  }
0x52c: {  	[tilespmem:s9+$0xE140] =	vst.add.f32.msk $0xffff, v5  }
0x52d: {  	[tilespmem:s9+$0xE150] =	vst.add.f32.msk $0xffff, v6  }
0x52e: {  	[tilespmem:s9+$0xE160] =	vst.add.f32.msk $0xffff, v7  }
0x52f: {  	[tilespmem:s9+$0xE170] =	vst.add.f32.msk $0xffff, v8  }
0x530: {  	[tilespmem:s9+$0xE180] =	vst.add.f32.msk $0xffff, v9  }
0x531: {  	[tilespmem:s9+$0xE190] =	vst.add.f32.msk $0xffff, v10  }
0x532: {  	[tilespmem:s9+$0xE1A0] =	vst.add.f32.msk $0xffff, v11  }
0x533: {  	[tilespmem:s9+$0xE1B0] =	vst.add.f32.msk $0xffff, v12  }
0x534: {  	[tilespmem:s9+$0xE1C0] =	vst.add.f32.msk $0xffff, v13  }
0x535: {  	[tilespmem:s9+$0xE1D0] =	vst.add.f32.msk $0xffff, v14  }
0x536: {  	[tilespmem:s9+$0xE1E0] =	vst.add.f32.msk $0xffff, v15  }
0x537: {  	[tilespmem:s9+$0xE1F0] =	vst.add.f32.msk $0xffff, v16  }
0x538: {  	[tilespmem:s9+$0xE200] =	vst.add.f32.msk $0xffff, v17  }
0x539: {  	[tilespmem:s9+$0xE210] =	vst.add.f32.msk $0xffff, v18  }
0x53a: {  	[tilespmem:s9+$0xE220] =	vst.add.f32.msk $0xffff, v19  }
0x53b: {  	[tilespmem:s9+$0xE230] =	vst.add.f32.msk $0xffff, v20  }
0x53c: {  	[tilespmem:s9+$0xE240] =	vst.add.f32.msk $0xffff, v21  }
0x53d: {  	[tilespmem:s9+$0xE250] =	vst.add.f32.msk $0xffff, v22  }
0x53e: {  	[tilespmem:s9+$0xE260] =	vst.add.f32.msk $0xffff, v23  }
0x53f: {  	[tilespmem:s9+$0xE270] =	vst.add.f32.msk $0xffff, v24  }
0x540: {  	[tilespmem:s9+$0xE280] =	vst.add.f32.msk $0xffff, v25  }
0x541: {  	[tilespmem:s9+$0xE290] =	vst.add.f32.msk $0xffff, v26  }
0x542: {  	[tilespmem:s9+$0xE2A0] =	vst.add.f32.msk $0xffff, v27  }
0x543: {  	[tilespmem:s9+$0xE2B0] =	vst.add.f32.msk $0xffff, v28  }
0x544: {  	[tilespmem:s9+$0xE2C0] =	vst.add.f32.msk $0xffff, v29  }
0x545: {  	[tilespmem:s9+$0xE2D0] =	vst.add.f32.msk $0xffff, v30  }
0x546: {  	[tilespmem:s9+$0xE2E0] =	vst.add.f32.msk $0xffff, v31  }
0x547: {  	[tilespmem:s9+$0xE2F0] =	vst.add.f32.msk $0xffff, v32  }
0x548: {  	[tilespmem:s9+$0xE300] =	vst.add.f32.msk $0xffff, v33  }
0x549: {  	[tilespmem:s9+$0xE310] =	vst.add.f32.msk $0xffff, v34  }
0x54a: {  	[tilespmem:s9+$0xE320] =	vst.add.f32.msk $0xffff, v35  }
0x54b: {  	[tilespmem:s9+$0xE330] =	vst.add.f32.msk $0xffff, v36  }
0x54c: {  	[tilespmem:s9+$0xE340] =	vst.add.f32.msk $0xffff, v37  }
0x54d: {  	[tilespmem:s9+$0xE350] =	vst.add.f32.msk $0xffff, v38  }
0x54e: {  	[tilespmem:s9+$0xE360] =	vst.add.f32.msk $0xffff, v39  }
0x54f: {  	[tilespmem:s9+$0xE370] =	vst.add.f32.msk $0xffff, v40  }
0x550: {  	[tilespmem:s9+$0xE380] =	vst.add.f32.msk $0xffff, v41  }
0x551: {  	[tilespmem:s9+$0xE390] =	vst.add.f32.msk $0xffff, v42  }
0x552: {  	[tilespmem:s9+$0xE3A0] =	vst.add.f32.msk $0xffff, v43  }
0x553: {  	[tilespmem:s9+$0xE3B0] =	vst.add.f32.msk $0xffff, v44  }
0x554: {  	[tilespmem:s9+$0xE3C0] =	vst.add.f32.msk $0xffff, v45  }
0x555: {  	[tilespmem:s9+$0xE3D0] =	vst.add.f32.msk $0xffff, v46  }
0x556: {  	[tilespmem:s9+$0xE3E0] =	vst.add.f32.msk $0xffff, v47  }
0x557: {  	[tilespmem:s9+$0xE3F0] =	vst.add.f32.msk $0xffff, v48  }
0x558: {  	[tilespmem:s9+$0xE400] =	vst.add.f32.msk $0xffff, v49  }
0x559: {  	[tilespmem:s9+$0xE410] =	vst.add.f32.msk $0xffff, v50  }
0x55a: {  	[tilespmem:s9+$0xE420] =	vst.add.f32.msk $0xffff, v51  }
0x55b: {  	[tilespmem:s9+$0xE430] =	vst.add.f32.msk $0xffff, v52  }
0x55c: {  	[tilespmem:s9+$0xE440] =	vst.add.f32.msk $0xffff, v53  }
0x55d: {  	[tilespmem:s9+$0xE450] =	vst.add.f32.msk $0xffff, v54  }
0x55e: {  	[tilespmem:s9+$0xE460] =	vst.add.f32.msk $0xffff, v55  }
0x55f: {  	[tilespmem:s9+$0xE470] =	vst.add.f32.msk $0xffff, v56  }
0x560: {  	[tilespmem:s9+$0xE480] =	vst.add.f32.msk $0xffff, v57  }
.Ltmp5:
0x561: {  	[tilespmem:s9+$0xE490] =	vst.add.f32.msk $0xffff, v58;
	(pc) =	sbr.rel @p0 .LBB2_12-.Ltmp5, $4  }
0x562: {  	[tilespmem:s9+$0xE4A0] =	vst.add.f32.msk $0xffff, v59  }
0x563: {  	[tilespmem:s9+$0xE4B0] =	vst.add.f32.msk $0xffff, v60  }
0x564: {  	[tilespmem:s9+$0xE4C0] =	vst.add.f32.msk $0xffff, v61  }
0x565: {  	s10 =	sadd.s32 $0x1000, s10;
	[tilespmem:s9+$0xE4D0] =	vst.add.f32.msk $0xffff, v62  }
0x566: {  	[tilespmem:s9+$0xE4E0] =	vst.add.f32.msk $0xffff, v0  }
0x567: {  	s12 =	simm.s32 $0x6;
	s2 =	rddreg [dreg:$0x7]  }
0x568: {  	[hbm4b:s2+s5] =	stream.linear.scatter [tilespmem:s24], [sflag:$0x5], $0x6400, $0x38;
	[tilespmem:$0x1A900] =	vst v63  }
0x569: {  	_ =	swait.ge [sflag:s12], $0x6400  }
0x56a: {  	[sflag:s12] =	ssyncset.done $0x0  }
0x56b: {  	[sflag:s12] =	ssyncadd.s32 $0xFFFF9C00  }
0x56c: {  	_ =	swait.ge [sflag:s25], $0x6400  }
0x56d: {  	[sflag:s25] =	ssyncset.done $0x0  }
0x56e: {  	[sflag:s25] =	ssyncadd.s32 $0xFFFF9C00  }
0x56f: {  	_ =	swait.ge [sflag:s30], $0x6400  }
0x570: {  	s7 =	sadd.s32 $0x1, s7;
	s13 =	rddreg [dreg:$0x8]  }
0x571: {  	p0 =	sne.s32 s7, s13  }
.Ltmp6:
0x572: {  	_ = 	snop;
	(pc) =	sbr.rel @p0 .LBB2_1-.Ltmp6, $3  }
0x573: {  	_ =	sdelay $0x1  }
0x574: {  	[sflag:s30] =	ssyncset.done $0x0  }
0x575: {  	[sflag:s30] =	ssyncadd.s32 $0xFFFF9C00  }
0x576: {  	_ =	sfence.sel $0x180000  }
0x577: {  	[bflag:$0x0] =	sbarrier.arrive $0xFFFF  }
0x578: {  	_ =	strace $0x90000047  }
0x579: {  	s0 =	stileid.u32;
	[bflag:$0x2] =	sbarrier.arrive $0xFFFF  }
0x57a: {  	p0 =	sne.s32 s0, $0x0;
	s0 =	rddreg [dreg:$0x4]  }
0x57b: {  	s0 =	sadd.s32 @!p0 $0x100000, s0  }
0x57c: {  	[sflag:s0] =	ssyncadd.tile.s32 @!p0 $0x1;
	_ =	shalt  }
.Lfunc_end2:
_tile_overlayer_lowered:
.L_overlay_start_2:
0x57d: {  	(tag) =	ssettag $0x2  }
0x57e: {  	s0 =	rddreg [dreg:$0x0];
	s2 =	stileid.u32  }
0x57f: {  	s1 =	rddreg [dreg:$0x1];
	p0 =	sne.s32 s2, $0x0  }
0x580: {  	s3 =	rddreg [dreg:$0x2];
	[bflag:$0x3] =	sbarrier.arrive $0xFFFF;
	s2 =	simm.s32 @!p0 $0x1C08  }
0x581: {  	[timem:s3], [sflag:s2] =	dma.local @!p0 [hbm:s0], s1  }
0x582: {  	s0 =	simm.s32 @!p0 $0x8  }
0x583: {  	_ =	swait.ge @!p0 [sflag:s0], s1  }
0x584: {  	s1 =	ssub.s32 @!p0 $0x0, s1;
	[sflag:s0] =	ssyncset.done @!p0 $0x0  }
0x585: {  	[sflag:s0] =	ssyncadd.s32 @!p0 s1  }
0x586: {  	[bflag:$0x3] =	sbarrier.arrive $0xFFFF  }
0x587: {  	_ =	shalt  }

</sc_bundles>
